<compile_context>
chip_gen: v7x
topology: tpu7x:2x2x1
jax: 0.10.2.dev20260603
libtpu: 0.0.44.dev20260713+nightly
codegen_flags: <defaults>
</compile_context>

<pallas_src>
import functools

import jax
import jax.numpy as jnp
from jax import lax
from jax.experimental import pallas as pl
from jax.experimental.pallas import tpu as pltpu
from jax.experimental.pallas import tpu_sc as plsc

VOCAB = 1000000
DIM = 64
WDIM = 128
BATCH = 4096
HIST = 200

B = BATCH * HIST
CHUNK = 128
SUB = 1
GROUP = CHUNK * SUB
L = 16


def _gather_kernel(num_workers):
    b_per_w = B // num_workers
    groups = b_per_w // GROUP
    pairs = groups // 2

    mesh = plsc.VectorSubcoreMesh(core_axis_name="c", subcore_axis_name="s")

    @functools.partial(
        pl.kernel,
        mesh=mesh,
        out_type=jax.ShapeDtypeStruct((B, DIM), jnp.float32),
        scratch_types=[
            pltpu.VMEM((b_per_w,), jnp.int32),
            pltpu.VMEM((GROUP, WDIM), jnp.float32),
            pltpu.VMEM((GROUP, WDIM), jnp.float32),
            pltpu.VMEM((GROUP, DIM), jnp.float32),
            pltpu.VMEM((GROUP, DIM), jnp.float32),
            pltpu.SemaphoreType.DMA,
            pltpu.SemaphoreType.DMA,
            pltpu.SemaphoreType.DMA,
            pltpu.SemaphoreType.DMA,
        ],
    )
    def gather_kernel(idx_hbm, wide_hbm, out_hbm, idx_v, rows0, rows1,
                      nar0, nar1, sem_g0, sem_g1, sem_o0, sem_o1):
        num_cores = lax.axis_size("c")
        wid = lax.axis_index("s") * num_cores + lax.axis_index("c")
        row_base = wid * b_per_w

        pltpu.sync_copy(idx_hbm.at[pl.ds(row_base, b_per_w)], idx_v)

        def fire_gather(g, rows_v, sem):
            for j in range(SUB):
                pltpu.async_copy(
                    wide_hbm.at[idx_v.at[pl.ds(g * GROUP + j * CHUNK, CHUNK)]],
                    rows_v.at[pl.ds(j * CHUNK, CHUNK)],
                    sem,
                )

        def wait_gather(rows_v, sem):
            pltpu.make_async_copy(wide_hbm.at[pl.ds(0, GROUP)], rows_v, sem).wait()

        def wait_out(nar_v, sem):
            pltpu.make_async_copy(
                out_hbm.at[pl.ds(0, GROUP)], nar_v, sem).wait()

        def compact(rows_v, nar_v):
            def body(i, carry):
                for u in range(16):
                    r = 16 * i + u
                    for q in range(DIM // L):
                        nar_v[r, pl.ds(q * L, L)] = rows_v[r, pl.ds(q * L, L)]
                return carry
            lax.fori_loop(0, GROUP // 16, body, 0)

        def fire_out(g, nar_v, sem):
            pltpu.async_copy(
                nar_v, out_hbm.at[pl.ds(row_base + g * GROUP, GROUP)], sem
            )

        fire_gather(0, rows0, sem_g0)

        def body(k, carry):
            g0 = 2 * k

            fire_gather(g0 + 1, rows1, sem_g1)

            wait_gather(rows0, sem_g0)

            @pl.when(k > 0)
            def _():
                wait_out(nar0, sem_o0)

            compact(rows0, nar0)
            fire_out(g0, nar0, sem_o0)

            g_next = lax.min(g0 + 2, groups - 1)
            fire_gather(g_next, rows0, sem_g0)

            wait_gather(rows1, sem_g1)

            @pl.when(k > 0)
            def _():
                wait_out(nar1, sem_o1)

            compact(rows1, nar1)
            fire_out(g0 + 1, nar1, sem_o1)
            return carry

        lax.fori_loop(0, pairs, body, 0)

        wait_gather(rows0, sem_g0)
        wait_out(nar0, sem_o0)
        wait_out(nar1, sem_o1)

    return gather_kernel


TBLK = 16384


def _widen_kernel():
    grid = (VOCAB + TBLK - 1) // TBLK

    def body(in_ref, out_ref):
        x = in_ref[...]
        out_ref[:, :DIM] = x.T

    return pl.pallas_call(
        body,
        grid=(grid,),
        in_specs=[pl.BlockSpec((DIM, TBLK), lambda i: (0, i))],
        out_specs=pl.BlockSpec((TBLK, WDIM), lambda i: (i, 0)),
        out_shape=jax.ShapeDtypeStruct((grid * TBLK, WDIM), jnp.float32),
    )


def kernel(indices, table):
    info = plsc.get_sparse_core_info()
    num_workers = info.num_cores * info.num_subcores
    idx_flat = indices.reshape(B)
    wide = _widen_kernel()(table.T)
    out_g = _gather_kernel(num_workers)(idx_flat, wide)
    return out_g.reshape(BATCH, HIST, DIM)

# --- scband reference (transcript-rebuilt; emitter-appended) ---
"""Pipeline reference for scband-embedding-18803366822276 (READ-ONLY COPY).

The authoritative reference and input builder live on the scoring server;
editing this copy changes nothing except your own understanding.
"""

import jax, jax.numpy as jnp
import numpy as np

VOCAB = 1000000
DIM = 64
PAD_IDX = 1
BATCH = 4096
HIST = 200


def setup_inputs(seed: int = 0) -> dict:
    key = jax.random.key(seed)
    k_idx, k_tab = jax.random.split(key)
    indices = jax.random.randint(k_idx, (BATCH, HIST), 0, VOCAB, dtype=jnp.int32)
    # xavier normal init: std = sqrt(2 / (fan_in + fan_out))
    std = float(np.sqrt(2.0 / (VOCAB + DIM)))
    table = jax.random.normal(k_tab, (VOCAB, DIM), dtype=jnp.float32) * std
    # padding token row is zeroed at init
    table = table.at[PAD_IDX].set(0.0)
    return {"indices": indices, "table": table}


def reference(indices, table):
    # FunctionalEmbedding.forward: gather rows of the embedding table
    output = jnp.take(table, indices, axis=0)
    return output

if __name__ == "__main__":
    import jax
    _d = setup_inputs()
    print(jax.jit(kernel)(*tuple(_d.values())))

</pallas_src>

<mosaic_0001>
#map = affine_map<(d0, d1) -> (0)>
#map1 = affine_map<(d0, d1) -> (0, 0)>
module attributes {stable_mosaic.version = 14 : i64} {
  func.func @gather_kernel(%arg0: i32, %arg1: i32, %arg2: memref<819200xi32, #tpu.memory_space<hbm>>, %arg3: memref<1015808x128xf32, #tpu.memory_space<hbm>>, %arg4: memref<819200x64xf32, #tpu.memory_space<hbm>>, %arg5: memref<25600xi32, #tpu.memory_space<vmem>>, %arg6: memref<128x128xf32, #tpu.memory_space<vmem>>, %arg7: memref<128x128xf32, #tpu.memory_space<vmem>>, %arg8: memref<128x64xf32, #tpu.memory_space<vmem>>, %arg9: memref<128x64xf32, #tpu.memory_space<vmem>>, %arg10: memref<!tpu.dma_semaphore, #tpu.memory_space<semaphore_mem>>, %arg11: memref<!tpu.dma_semaphore, #tpu.memory_space<semaphore_mem>>, %arg12: memref<!tpu.dma_semaphore, #tpu.memory_space<semaphore_mem>>, %arg13: memref<!tpu.dma_semaphore, #tpu.memory_space<semaphore_mem>>) attributes {dimension_semantics = [#tpu.dimension_semantics<core_parallel>, #tpu.dimension_semantics<subcore_parallel>], iteration_bounds = array<i64: 2, 16>, scalar_prefetch = 0 : i64, scratch_operands = 9 : i64, tpu.core_type = #tpu.core_type<sc_vector_subcore>, window_params = [{transform_indices = #map}, {transform_indices = #map1}, {transform_indices = #map1}]} {
    %mul3A = arith.constant 2 : i32
    %mul3A_0 = arith.muli %arg1, %mul3A : i32
    %add3A = arith.addi %mul3A_0, %arg0 : i32
    %mul3A_1 = arith.constant 25600 : i32
    %mul3A_2 = arith.muli %add3A, %mul3A_1 : i32
    "tpu.region"() ({
      %run_scoped3A = tpu.sem_alloc : memref<!tpu.dma_semaphore, #tpu.memory_space<semaphore_mem>>
      %dma_start3A_32 = tpu.memref_slice %arg2[%mul3A_2] : memref<819200xi32, #tpu.memory_space<hbm>> -> memref<25600xi32, #tpu.memory_space<hbm>>
      %dma_start3A_33 = tpu.memref_slice %arg2[%mul3A_2] : memref<819200xi32, #tpu.memory_space<hbm>> -> memref<25600xi32, #tpu.memory_space<hbm>>
      tpu.enqueue_dma source(%dma_start3A_33 : memref<25600xi32, #tpu.memory_space<hbm>>) target(%arg5 : memref<25600xi32, #tpu.memory_space<vmem>>) target_semaphore(%run_scoped3A : memref<!tpu.dma_semaphore, #tpu.memory_space<semaphore_mem>>)
      %dma_wait3A_34 = tpu.memref_slice %arg2[%mul3A_2] : memref<819200xi32, #tpu.memory_space<hbm>> -> memref<25600xi32, #tpu.memory_space<hbm>>
      %dma_wait3A_35 = tpu.memref_slice %arg2[%mul3A_2] : memref<819200xi32, #tpu.memory_space<hbm>> -> memref<25600xi32, #tpu.memory_space<hbm>>
      tpu.wait_dma2 semaphore(%run_scoped3A : memref<!tpu.dma_semaphore, #tpu.memory_space<semaphore_mem>>) src(%dma_wait3A_35 : memref<25600xi32, #tpu.memory_space<hbm>>) dst(%arg5 : memref<25600xi32, #tpu.memory_space<vmem>>)
      tpu.yield
    }) : () -> ()
    %dma_start3A = arith.constant 0 : i32
    %dma_start3A_3 = arith.constant 0 : i32
    %dma_start3A_4 = tpu.memref_slice %arg6[%dma_start3A, %dma_start3A_3] : memref<128x128xf32, #tpu.memory_space<vmem>> -> memref<128x128xf32, #tpu.memory_space<vmem>>
    %dma_start3A_5 = arith.constant 0 : i32
    %dma_start3A_6 = tpu.memref_slice %arg5[%dma_start3A_5] : memref<25600xi32, #tpu.memory_space<vmem>> -> memref<128xi32, #tpu.memory_space<vmem>>
    %dma_start3A_7 = arith.constant 0 : i32
    %dma_start3A_8 = arith.constant 0 : i32
    %dma_start3A_9 = tpu.memref_slice %arg3[%dma_start3A_7, %dma_start3A_8] : memref<1015808x128xf32, #tpu.memory_space<hbm>> -> memref<1015808x128xf32, #tpu.memory_space<hbm>>
    tpu.enqueue_indirect_dma source(%dma_start3A_9 : memref<1015808x128xf32, #tpu.memory_space<hbm>>) target(%dma_start3A_4 : memref<128x128xf32, #tpu.memory_space<vmem>>) offsets(%dma_start3A_6 : memref<128xi32, #tpu.memory_space<vmem>>) semaphore(%arg10 : memref<!tpu.dma_semaphore, #tpu.memory_space<semaphore_mem>>)
    %scan3A = arith.constant 0 : i32
    %scan3A_10 = arith.constant 0 : i32
    %scan3A_11 = arith.constant 100 : i32
    %scan3A_12 = arith.addi %scan3A_10, %scan3A_11 : i32
    %scan3A_13 = arith.constant 1 : i32
    scf.for %scan3A_32 = %scan3A_10 to %scan3A_12 step %scan3A_13  : i32 {
      %mul3A_33 = arith.constant 2 : i32
      %mul3A_34 = arith.muli %mul3A_33, %scan3A_32 : i32
      %add3A_35 = arith.constant 1 : i32
      %add3A_36 = arith.addi %mul3A_34, %add3A_35 : i32
      %mul3A_37 = arith.constant 128 : i32
      %mul3A_38 = arith.muli %add3A_36, %mul3A_37 : i32
      %add3A_39 = arith.constant 0 : i32
      %add3A_40 = arith.addi %mul3A_38, %add3A_39 : i32
      %dma_start3A_41 = arith.constant 0 : i32
      %dma_start3A_42 = arith.constant 0 : i32
      %dma_start3A_43 = tpu.memref_slice %arg7[%dma_start3A_41, %dma_start3A_42] : memref<128x128xf32, #tpu.memory_space<vmem>> -> memref<128x128xf32, #tpu.memory_space<vmem>>
      %dma_start3A_44 = tpu.memref_slice %arg5[%add3A_40] : memref<25600xi32, #tpu.memory_space<vmem>> -> memref<128xi32, #tpu.memory_space<vmem>>
      %dma_start3A_45 = arith.constant 0 : i32
      %dma_start3A_46 = arith.constant 0 : i32
      %dma_start3A_47 = tpu.memref_slice %arg3[%dma_start3A_45, %dma_start3A_46] : memref<1015808x128xf32, #tpu.memory_space<hbm>> -> memref<1015808x128xf32, #tpu.memory_space<hbm>>
      tpu.enqueue_indirect_dma source(%dma_start3A_47 : memref<1015808x128xf32, #tpu.memory_space<hbm>>) target(%dma_start3A_43 : memref<128x128xf32, #tpu.memory_space<vmem>>) offsets(%dma_start3A_44 : memref<128xi32, #tpu.memory_space<vmem>>) semaphore(%arg11 : memref<!tpu.dma_semaphore, #tpu.memory_space<semaphore_mem>>)
      %dma_wait3A_48 = arith.constant 0 : i32
      %dma_wait3A_49 = arith.constant 0 : i32
      %dma_wait3A_50 = tpu.memref_slice %arg3[%dma_wait3A_48, %dma_wait3A_49] : memref<1015808x128xf32, #tpu.memory_space<hbm>> -> memref<128x128xf32, #tpu.memory_space<hbm>>
      %dma_wait3A_51 = arith.constant 0 : i32
      %dma_wait3A_52 = arith.constant 0 : i32
      %dma_wait3A_53 = tpu.memref_slice %arg3[%dma_wait3A_51, %dma_wait3A_52] : memref<1015808x128xf32, #tpu.memory_space<hbm>> -> memref<128x128xf32, #tpu.memory_space<hbm>>
      tpu.wait_dma2 semaphore(%arg10 : memref<!tpu.dma_semaphore, #tpu.memory_space<semaphore_mem>>) src(%dma_wait3A_53 : memref<128x128xf32, #tpu.memory_space<hbm>>) dst(%arg6 : memref<128x128xf32, #tpu.memory_space<vmem>>)
      %gt3A = arith.constant 0 : i32
      %gt3A_54 = arith.cmpi sgt, %scan3A_32, %gt3A : i32
      %convert_element_type3A = arith.extui %gt3A_54 : i1 to i32
      %cond3A = arith.constant 0 : i32
      %cond3A_55 = arith.cmpi ne, %convert_element_type3A, %cond3A : i32
      scf.if %cond3A_55 {
        %dma_wait3A_109 = arith.constant 0 : i32
        %dma_wait3A_110 = arith.constant 0 : i32
        %dma_wait3A_111 = tpu.memref_slice %arg4[%dma_wait3A_109, %dma_wait3A_110] : memref<819200x64xf32, #tpu.memory_space<hbm>> -> memref<128x64xf32, #tpu.memory_space<hbm>>
        %dma_wait3A_112 = arith.constant 0 : i32
        %dma_wait3A_113 = arith.constant 0 : i32
        %dma_wait3A_114 = tpu.memref_slice %arg4[%dma_wait3A_112, %dma_wait3A_113] : memref<819200x64xf32, #tpu.memory_space<hbm>> -> memref<128x64xf32, #tpu.memory_space<hbm>>
        tpu.wait_dma2 semaphore(%arg12 : memref<!tpu.dma_semaphore, #tpu.memory_space<semaphore_mem>>) src(%dma_wait3A_114 : memref<128x64xf32, #tpu.memory_space<hbm>>) dst(%arg8 : memref<128x64xf32, #tpu.memory_space<vmem>>)
      } else {
      }
      %scan3A_56 = arith.constant 0 : i32
      %scan3A_57 = arith.constant 0 : i32
      %scan3A_58 = arith.constant 8 : i32
      %scan3A_59 = arith.addi %scan3A_57, %scan3A_58 : i32
      %scan3A_60 = arith.constant 1 : i32
      scf.for %scan3A_109 = %scan3A_57 to %scan3A_59 step %scan3A_60  : i32 {
        %mul3A_110 = arith.constant 16 : i32
        %mul3A_111 = arith.muli %mul3A_110, %scan3A_109 : i32
        %add3A_112 = arith.constant 0 : i32
        %add3A_113 = arith.addi %mul3A_111, %add3A_112 : i32
        %get3A = arith.index_cast %add3A_113 : i32 to index
        %get3A_114 = arith.constant 0 : index
        %get3A_115 = tpu.vector_load %arg6[%get3A, %get3A_114] {strides = array<i32>} : memref<128x128xf32, #tpu.memory_space<vmem>>, vector<1x16xf32>,
        %get3A_116 = vector.shape_cast %get3A_115 : vector<1x16xf32> to vector<16xf32>
        %swap3A = arith.index_cast %add3A_113 : i32 to index
        %swap3A_117 = arith.constant 0 : index
        %swap3A_118 = tpu.vector_load %arg8[%swap3A, %swap3A_117] {strides = array<i32>} : memref<128x64xf32, #tpu.memory_space<vmem>>, vector<1x16xf32>,
        %swap3A_119 = vector.shape_cast %swap3A_118 : vector<1x16xf32> to vector<16xf32>
        %swap3A_120 = vector.shape_cast %get3A_116 : vector<16xf32> to vector<1x16xf32>
        tpu.vector_store %arg8[%swap3A, %swap3A_117], %swap3A_120 {strides = array<i32>} : memref<128x64xf32, #tpu.memory_space<vmem>>, vector<1x16xf32>,
        %get3A_121 = arith.index_cast %add3A_113 : i32 to index
        %get3A_122 = arith.constant 16 : index
        %get3A_123 = tpu.vector_load %arg6[%get3A_121, %get3A_122] {strides = array<i32>} : memref<128x128xf32, #tpu.memory_space<vmem>>, vector<1x16xf32>,
        %get3A_124 = vector.shape_cast %get3A_123 : vector<1x16xf32> to vector<16xf32>
        %swap3A_125 = arith.index_cast %add3A_113 : i32 to index
        %swap3A_126 = arith.constant 16 : index
        %swap3A_127 = tpu.vector_load %arg8[%swap3A_125, %swap3A_126] {strides = array<i32>} : memref<128x64xf32, #tpu.memory_space<vmem>>, vector<1x16xf32>,
        %swap3A_128 = vector.shape_cast %swap3A_127 : vector<1x16xf32> to vector<16xf32>
        %swap3A_129 = vector.shape_cast %get3A_124 : vector<16xf32> to vector<1x16xf32>
        tpu.vector_store %arg8[%swap3A_125, %swap3A_126], %swap3A_129 {strides = array<i32>} : memref<128x64xf32, #tpu.memory_space<vmem>>, vector<1x16xf32>,
        %get3A_130 = arith.index_cast %add3A_113 : i32 to index
        %get3A_131 = arith.constant 32 : index
        %get3A_132 = tpu.vector_load %arg6[%get3A_130, %get3A_131] {strides = array<i32>} : memref<128x128xf32, #tpu.memory_space<vmem>>, vector<1x16xf32>,
        %get3A_133 = vector.shape_cast %get3A_132 : vector<1x16xf32> to vector<16xf32>
        %swap3A_134 = arith.index_cast %add3A_113 : i32 to index
        %swap3A_135 = arith.constant 32 : index
        %swap3A_136 = tpu.vector_load %arg8[%swap3A_134, %swap3A_135] {strides = array<i32>} : memref<128x64xf32, #tpu.memory_space<vmem>>, vector<1x16xf32>,
        %swap3A_137 = vector.shape_cast %swap3A_136 : vector<1x16xf32> to vector<16xf32>
        %swap3A_138 = vector.shape_cast %get3A_133 : vector<16xf32> to vector<1x16xf32>
        tpu.vector_store %arg8[%swap3A_134, %swap3A_135], %swap3A_138 {strides = array<i32>} : memref<128x64xf32, #tpu.memory_space<vmem>>, vector<1x16xf32>,
        %get3A_139 = arith.index_cast %add3A_113 : i32 to index
        %get3A_140 = arith.constant 48 : index
        %get3A_141 = tpu.vector_load %arg6[%get3A_139, %get3A_140] {strides = array<i32>} : memref<128x128xf32, #tpu.memory_space<vmem>>, vector<1x16xf32>,
        %get3A_142 = vector.shape_cast %get3A_141 : vector<1x16xf32> to vector<16xf32>
        %swap3A_143 = arith.index_cast %add3A_113 : i32 to index
        %swap3A_144 = arith.constant 48 : index
        %swap3A_145 = tpu.vector_load %arg8[%swap3A_143, %swap3A_144] {strides = array<i32>} : memref<128x64xf32, #tpu.memory_space<vmem>>, vector<1x16xf32>,
        %swap3A_146 = vector.shape_cast %swap3A_145 : vector<1x16xf32> to vector<16xf32>
        %swap3A_147 = vector.shape_cast %get3A_142 : vector<16xf32> to vector<1x16xf32>
        tpu.vector_store %arg8[%swap3A_143, %swap3A_144], %swap3A_147 {strides = array<i32>} : memref<128x64xf32, #tpu.memory_space<vmem>>, vector<1x16xf32>,
        %mul3A_148 = arith.constant 16 : i32
        %mul3A_149 = arith.muli %mul3A_148, %scan3A_109 : i32
        %add3A_150 = arith.constant 1 : i32
        %add3A_151 = arith.addi %mul3A_149, %add3A_150 : i32
        %get3A_152 = arith.index_cast %add3A_151 : i32 to index
        %get3A_153 = arith.constant 0 : index
        %get3A_154 = tpu.vector_load %arg6[%get3A_152, %get3A_153] {strides = array<i32>} : memref<128x128xf32, #tpu.memory_space<vmem>>, vector<1x16xf32>,
        %get3A_155 = vector.shape_cast %get3A_154 : vector<1x16xf32> to vector<16xf32>
        %swap3A_156 = arith.index_cast %add3A_151 : i32 to index
        %swap3A_157 = arith.constant 0 : index
        %swap3A_158 = tpu.vector_load %arg8[%swap3A_156, %swap3A_157] {strides = array<i32>} : memref<128x64xf32, #tpu.memory_space<vmem>>, vector<1x16xf32>,
        %swap3A_159 = vector.shape_cast %swap3A_158 : vector<1x16xf32> to vector<16xf32>
        %swap3A_160 = vector.shape_cast %get3A_155 : vector<16xf32> to vector<1x16xf32>
        tpu.vector_store %arg8[%swap3A_156, %swap3A_157], %swap3A_160 {strides = array<i32>} : memref<128x64xf32, #tpu.memory_space<vmem>>, vector<1x16xf32>,
        %get3A_161 = arith.index_cast %add3A_151 : i32 to index
        %get3A_162 = arith.constant 16 : index
        %get3A_163 = tpu.vector_load %arg6[%get3A_161, %get3A_162] {strides = array<i32>} : memref<128x128xf32, #tpu.memory_space<vmem>>, vector<1x16xf32>,
        %get3A_164 = vector.shape_cast %get3A_163 : vector<1x16xf32> to vector<16xf32>
        %swap3A_165 = arith.index_cast %add3A_151 : i32 to index
        %swap3A_166 = arith.constant 16 : index
        %swap3A_167 = tpu.vector_load %arg8[%swap3A_165, %swap3A_166] {strides = array<i32>} : memref<128x64xf32, #tpu.memory_space<vmem>>, vector<1x16xf32>,
        %swap3A_168 = vector.shape_cast %swap3A_167 : vector<1x16xf32> to vector<16xf32>
        %swap3A_169 = vector.shape_cast %get3A_164 : vector<16xf32> to vector<1x16xf32>
        tpu.vector_store %arg8[%swap3A_165, %swap3A_166], %swap3A_169 {strides = array<i32>} : memref<128x64xf32, #tpu.memory_space<vmem>>, vector<1x16xf32>,
        %get3A_170 = arith.index_cast %add3A_151 : i32 to index
        %get3A_171 = arith.constant 32 : index
        %get3A_172 = tpu.vector_load %arg6[%get3A_170, %get3A_171] {strides = array<i32>} : memref<128x128xf32, #tpu.memory_space<vmem>>, vector<1x16xf32>,
        %get3A_173 = vector.shape_cast %get3A_172 : vector<1x16xf32> to vector<16xf32>
        %swap3A_174 = arith.index_cast %add3A_151 : i32 to index
        %swap3A_175 = arith.constant 32 : index
        %swap3A_176 = tpu.vector_load %arg8[%swap3A_174, %swap3A_175] {strides = array<i32>} : memref<128x64xf32, #tpu.memory_space<vmem>>, vector<1x16xf32>,
        %swap3A_177 = vector.shape_cast %swap3A_176 : vector<1x16xf32> to vector<16xf32>
        %swap3A_178 = vector.shape_cast %get3A_173 : vector<16xf32> to vector<1x16xf32>
        tpu.vector_store %arg8[%swap3A_174, %swap3A_175], %swap3A_178 {strides = array<i32>} : memref<128x64xf32, #tpu.memory_space<vmem>>, vector<1x16xf32>,
        %get3A_179 = arith.index_cast %add3A_151 : i32 to index
        %get3A_180 = arith.constant 48 : index
        %get3A_181 = tpu.vector_load %arg6[%get3A_179, %get3A_180] {strides = array<i32>} : memref<128x128xf32, #tpu.memory_space<vmem>>, vector<1x16xf32>,
        %get3A_182 = vector.shape_cast %get3A_181 : vector<1x16xf32> to vector<16xf32>
        %swap3A_183 = arith.index_cast %add3A_151 : i32 to index
        %swap3A_184 = arith.constant 48 : index
        %swap3A_185 = tpu.vector_load %arg8[%swap3A_183, %swap3A_184] {strides = array<i32>} : memref<128x64xf32, #tpu.memory_space<vmem>>, vector<1x16xf32>,
        %swap3A_186 = vector.shape_cast %swap3A_185 : vector<1x16xf32> to vector<16xf32>
        %swap3A_187 = vector.shape_cast %get3A_182 : vector<16xf32> to vector<1x16xf32>
        tpu.vector_store %arg8[%swap3A_183, %swap3A_184], %swap3A_187 {strides = array<i32>} : memref<128x64xf32, #tpu.memory_space<vmem>>, vector<1x16xf32>,
        %mul3A_188 = arith.constant 16 : i32
        %mul3A_189 = arith.muli %mul3A_188, %scan3A_109 : i32
        %add3A_190 = arith.constant 2 : i32
        %add3A_191 = arith.addi %mul3A_189, %add3A_190 : i32
        %get3A_192 = arith.index_cast %add3A_191 : i32 to index
        %get3A_193 = arith.constant 0 : index
        %get3A_194 = tpu.vector_load %arg6[%get3A_192, %get3A_193] {strides = array<i32>} : memref<128x128xf32, #tpu.memory_space<vmem>>, vector<1x16xf32>,
        %get3A_195 = vector.shape_cast %get3A_194 : vector<1x16xf32> to vector<16xf32>
        %swap3A_196 = arith.index_cast %add3A_191 : i32 to index
        %swap3A_197 = arith.constant 0 : index
        %swap3A_198 = tpu.vector_load %arg8[%swap3A_196, %swap3A_197] {strides = array<i32>} : memref<128x64xf32, #tpu.memory_space<vmem>>, vector<1x16xf32>,
        %swap3A_199 = vector.shape_cast %swap3A_198 : vector<1x16xf32> to vector<16xf32>
        %swap3A_200 = vector.shape_cast %get3A_195 : vector<16xf32> to vector<1x16xf32>
        tpu.vector_store %arg8[%swap3A_196, %swap3A_197], %swap3A_200 {strides = array<i32>} : memref<128x64xf32, #tpu.memory_space<vmem>>, vector<1x16xf32>,
        %get3A_201 = arith.index_cast %add3A_191 : i32 to index
        %get3A_202 = arith.constant 16 : index
        %get3A_203 = tpu.vector_load %arg6[%get3A_201, %get3A_202] {strides = array<i32>} : memref<128x128xf32, #tpu.memory_space<vmem>>, vector<1x16xf32>,
        %get3A_204 = vector.shape_cast %get3A_203 : vector<1x16xf32> to vector<16xf32>
        %swap3A_205 = arith.index_cast %add3A_191 : i32 to index
        %swap3A_206 = arith.constant 16 : index
        %swap3A_207 = tpu.vector_load %arg8[%swap3A_205, %swap3A_206] {strides = array<i32>} : memref<128x64xf32, #tpu.memory_space<vmem>>, vector<1x16xf32>,
        %swap3A_208 = vector.shape_cast %swap3A_207 : vector<1x16xf32> to vector<16xf32>
        %swap3A_209 = vector.shape_cast %get3A_204 : vector<16xf32> to vector<1x16xf32>
        tpu.vector_store %arg8[%swap3A_205, %swap3A_206], %swap3A_209 {strides = array<i32>} : memref<128x64xf32, #tpu.memory_space<vmem>>, vector<1x16xf32>,
        %get3A_210 = arith.index_cast %add3A_191 : i32 to index
        %get3A_211 = arith.constant 32 : index
        %get3A_212 = tpu.vector_load %arg6[%get3A_210, %get3A_211] {strides = array<i32>} : memref<128x128xf32, #tpu.memory_space<vmem>>, vector<1x16xf32>,
        %get3A_213 = vector.shape_cast %get3A_212 : vector<1x16xf32> to vector<16xf32>
        %swap3A_214 = arith.index_cast %add3A_191 : i32 to index
        %swap3A_215 = arith.constant 32 : index
        %swap3A_216 = tpu.vector_load %arg8[%swap3A_214, %swap3A_215] {strides = array<i32>} : memref<128x64xf32, #tpu.memory_space<vmem>>, vector<1x16xf32>,
        %swap3A_217 = vector.shape_cast %swap3A_216 : vector<1x16xf32> to vector<16xf32>
        %swap3A_218 = vector.shape_cast %get3A_213 : vector<16xf32> to vector<1x16xf32>
        tpu.vector_store %arg8[%swap3A_214, %swap3A_215], %swap3A_218 {strides = array<i32>} : memref<128x64xf32, #tpu.memory_space<vmem>>, vector<1x16xf32>,
        %get3A_219 = arith.index_cast %add3A_191 : i32 to index
        %get3A_220 = arith.constant 48 : index
        %get3A_221 = tpu.vector_load %arg6[%get3A_219, %get3A_220] {strides = array<i32>} : memref<128x128xf32, #tpu.memory_space<vmem>>, vector<1x16xf32>,
        %get3A_222 = vector.shape_cast %get3A_221 : vector<1x16xf32> to vector<16xf32>
        %swap3A_223 = arith.index_cast %add3A_191 : i32 to index
        %swap3A_224 = arith.constant 48 : index
        %swap3A_225 = tpu.vector_load %arg8[%swap3A_223, %swap3A_224] {strides = array<i32>} : memref<128x64xf32, #tpu.memory_space<vmem>>, vector<1x16xf32>,
        %swap3A_226 = vector.shape_cast %swap3A_225 : vector<1x16xf32> to vector<16xf32>
        %swap3A_227 = vector.shape_cast %get3A_222 : vector<16xf32> to vector<1x16xf32>
        tpu.vector_store %arg8[%swap3A_223, %swap3A_224], %swap3A_227 {strides = array<i32>} : memref<128x64xf32, #tpu.memory_space<vmem>>, vector<1x16xf32>,
        %mul3A_228 = arith.constant 16 : i32
        %mul3A_229 = arith.muli %mul3A_228, %scan3A_109 : i32
        %add3A_230 = arith.constant 3 : i32
        %add3A_231 = arith.addi %mul3A_229, %add3A_230 : i32
        %get3A_232 = arith.index_cast %add3A_231 : i32 to index
        %get3A_233 = arith.constant 0 : index
        %get3A_234 = tpu.vector_load %arg6[%get3A_232, %get3A_233] {strides = array<i32>} : memref<128x128xf32, #tpu.memory_space<vmem>>, vector<1x16xf32>,
        %get3A_235 = vector.shape_cast %get3A_234 : vector<1x16xf32> to vector<16xf32>
        %swap3A_236 = arith.index_cast %add3A_231 : i32 to index
        %swap3A_237 = arith.constant 0 : index
        %swap3A_238 = tpu.vector_load %arg8[%swap3A_236, %swap3A_237] {strides = array<i32>} : memref<128x64xf32, #tpu.memory_space<vmem>>, vector<1x16xf32>,
        %swap3A_239 = vector.shape_cast %swap3A_238 : vector<1x16xf32> to vector<16xf32>
        %swap3A_240 = vector.shape_cast %get3A_235 : vector<16xf32> to vector<1x16xf32>
        tpu.vector_store %arg8[%swap3A_236, %swap3A_237], %swap3A_240 {strides = array<i32>} : memref<128x64xf32, #tpu.memory_space<vmem>>, vector<1x16xf32>,
        %get3A_241 = arith.index_cast %add3A_231 : i32 to index
        %get3A_242 = arith.constant 16 : index
        %get3A_243 = tpu.vector_load %arg6[%get3A_241, %get3A_242] {strides = array<i32>} : memref<128x128xf32, #tpu.memory_space<vmem>>, vector<1x16xf32>,
        %get3A_244 = vector.shape_cast %get3A_243 : vector<1x16xf32> to vector<16xf32>
        %swap3A_245 = arith.index_cast %add3A_231 : i32 to index
        %swap3A_246 = arith.constant 16 : index
        %swap3A_247 = tpu.vector_load %arg8[%swap3A_245, %swap3A_246] {strides = array<i32>} : memref<128x64xf32, #tpu.memory_space<vmem>>, vector<1x16xf32>,
        %swap3A_248 = vector.shape_cast %swap3A_247 : vector<1x16xf32> to vector<16xf32>
        %swap3A_249 = vector.shape_cast %get3A_244 : vector<16xf32> to vector<1x16xf32>
        tpu.vector_store %arg8[%swap3A_245, %swap3A_246], %swap3A_249 {strides = array<i32>} : memref<128x64xf32, #tpu.memory_space<vmem>>, vector<1x16xf32>,
        %get3A_250 = arith.index_cast %add3A_231 : i32 to index
        %get3A_251 = arith.constant 32 : index
        %get3A_252 = tpu.vector_load %arg6[%get3A_250, %get3A_251] {strides = array<i32>} : memref<128x128xf32, #tpu.memory_space<vmem>>, vector<1x16xf32>,
        %get3A_253 = vector.shape_cast %get3A_252 : vector<1x16xf32> to vector<16xf32>
        %swap3A_254 = arith.index_cast %add3A_231 : i32 to index
        %swap3A_255 = arith.constant 32 : index
        %swap3A_256 = tpu.vector_load %arg8[%swap3A_254, %swap3A_255] {strides = array<i32>} : memref<128x64xf32, #tpu.memory_space<vmem>>, vector<1x16xf32>,
        %swap3A_257 = vector.shape_cast %swap3A_256 : vector<1x16xf32> to vector<16xf32>
        %swap3A_258 = vector.shape_cast %get3A_253 : vector<16xf32> to vector<1x16xf32>
        tpu.vector_store %arg8[%swap3A_254, %swap3A_255], %swap3A_258 {strides = array<i32>} : memref<128x64xf32, #tpu.memory_space<vmem>>, vector<1x16xf32>,
        %get3A_259 = arith.index_cast %add3A_231 : i32 to index
        %get3A_260 = arith.constant 48 : index
        %get3A_261 = tpu.vector_load %arg6[%get3A_259, %get3A_260] {strides = array<i32>} : memref<128x128xf32, #tpu.memory_space<vmem>>, vector<1x16xf32>,
        %get3A_262 = vector.shape_cast %get3A_261 : vector<1x16xf32> to vector<16xf32>
        %swap3A_263 = arith.index_cast %add3A_231 : i32 to index
        %swap3A_264 = arith.constant 48 : index
        %swap3A_265 = tpu.vector_load %arg8[%swap3A_263, %swap3A_264] {strides = array<i32>} : memref<128x64xf32, #tpu.memory_space<vmem>>, vector<1x16xf32>,
        %swap3A_266 = vector.shape_cast %swap3A_265 : vector<1x16xf32> to vector<16xf32>
        %swap3A_267 = vector.shape_cast %get3A_262 : vector<16xf32> to vector<1x16xf32>
        tpu.vector_store %arg8[%swap3A_263, %swap3A_264], %swap3A_267 {strides = array<i32>} : memref<128x64xf32, #tpu.memory_space<vmem>>, vector<1x16xf32>,
        %mul3A_268 = arith.constant 16 : i32
        %mul3A_269 = arith.muli %mul3A_268, %scan3A_109 : i32
        %add3A_270 = arith.constant 4 : i32
        %add3A_271 = arith.addi %mul3A_269, %add3A_270 : i32
        %get3A_272 = arith.index_cast %add3A_271 : i32 to index
        %get3A_273 = arith.constant 0 : index
        %get3A_274 = tpu.vector_load %arg6[%get3A_272, %get3A_273] {strides = array<i32>} : memref<128x128xf32, #tpu.memory_space<vmem>>, vector<1x16xf32>,
        %get3A_275 = vector.shape_cast %get3A_274 : vector<1x16xf32> to vector<16xf32>
        %swap3A_276 = arith.index_cast %add3A_271 : i32 to index
        %swap3A_277 = arith.constant 0 : index
        %swap3A_278 = tpu.vector_load %arg8[%swap3A_276, %swap3A_277] {strides = array<i32>} : memref<128x64xf32, #tpu.memory_space<vmem>>, vector<1x16xf32>,
        %swap3A_279 = vector.shape_cast %swap3A_278 : vector<1x16xf32> to vector<16xf32>
        %swap3A_280 = vector.shape_cast %get3A_275 : vector<16xf32> to vector<1x16xf32>
        tpu.vector_store %arg8[%swap3A_276, %swap3A_277], %swap3A_280 {strides = array<i32>} : memref<128x64xf32, #tpu.memory_space<vmem>>, vector<1x16xf32>,
        %get3A_281 = arith.index_cast %add3A_271 : i32 to index
        %get3A_282 = arith.constant 16 : index
        %get3A_283 = tpu.vector_load %arg6[%get3A_281, %get3A_282] {strides = array<i32>} : memref<128x128xf32, #tpu.memory_space<vmem>>, vector<1x16xf32>,
        %get3A_284 = vector.shape_cast %get3A_283 : vector<1x16xf32> to vector<16xf32>
        %swap3A_285 = arith.index_cast %add3A_271 : i32 to index
        %swap3A_286 = arith.constant 16 : index
        %swap3A_287 = tpu.vector_load %arg8[%swap3A_285, %swap3A_286] {strides = array<i32>} : memref<128x64xf32, #tpu.memory_space<vmem>>, vector<1x16xf32>,
        %swap3A_288 = vector.shape_cast %swap3A_287 : vector<1x16xf32> to vector<16xf32>
        %swap3A_289 = vector.shape_cast %get3A_284 : vector<16xf32> to vector<1x16xf32>
        tpu.vector_store %arg8[%swap3A_285, %swap3A_286], %swap3A_289 {strides = array<i32>} : memref<128x64xf32, #tpu.memory_space<vmem>>, vector<1x16xf32>,
        %get3A_290 = arith.index_cast %add3A_271 : i32 to index
        %get3A_291 = arith.constant 32 : index
        %get3A_292 = tpu.vector_load %arg6[%get3A_290, %get3A_291] {strides = array<i32>} : memref<128x128xf32, #tpu.memory_space<vmem>>, vector<1x16xf32>,
        %get3A_293 = vector.shape_cast %get3A_292 : vector<1x16xf32> to vector<16xf32>
        %swap3A_294 = arith.index_cast %add3A_271 : i32 to index
        %swap3A_295 = arith.constant 32 : index
        %swap3A_296 = tpu.vector_load %arg8[%swap3A_294, %swap3A_295] {strides = array<i32>} : memref<128x64xf32, #tpu.memory_space<vmem>>, vector<1x16xf32>,
        %swap3A_297 = vector.shape_cast %swap3A_296 : vector<1x16xf32> to vector<16xf32>
        %swap3A_298 = vector.shape_cast %get3A_293 : vector<16xf32> to vector<1x16xf32>
        tpu.vector_store %arg8[%swap3A_294, %swap3A_295], %swap3A_298 {strides = array<i32>} : memref<128x64xf32, #tpu.memory_space<vmem>>, vector<1x16xf32>,
        %get3A_299 = arith.index_cast %add3A_271 : i32 to index
        %get3A_300 = arith.constant 48 : index
        %get3A_301 = tpu.vector_load %arg6[%get3A_299, %get3A_300] {strides = array<i32>} : memref<128x128xf32, #tpu.memory_space<vmem>>, vector<1x16xf32>,
        %get3A_302 = vector.shape_cast %get3A_301 : vector<1x16xf32> to vector<16xf32>
        %swap3A_303 = arith.index_cast %add3A_271 : i32 to index
        %swap3A_304 = arith.constant 48 : index
        %swap3A_305 = tpu.vector_load %arg8[%swap3A_303, %swap3A_304] {strides = array<i32>} : memref<128x64xf32, #tpu.memory_space<vmem>>, vector<1x16xf32>,
        %swap3A_306 = vector.shape_cast %swap3A_305 : vector<1x16xf32> to vector<16xf32>
        %swap3A_307 = vector.shape_cast %get3A_302 : vector<16xf32> to vector<1x16xf32>
        tpu.vector_store %arg8[%swap3A_303, %swap3A_304], %swap3A_307 {strides = array<i32>} : memref<128x64xf32, #tpu.memory_space<vmem>>, vector<1x16xf32>,
        %mul3A_308 = arith.constant 16 : i32
        %mul3A_309 = arith.muli %mul3A_308, %scan3A_109 : i32
        %add3A_310 = arith.constant 5 : i32
        %add3A_311 = arith.addi %mul3A_309, %add3A_310 : i32
        %get3A_312 = arith.index_cast %add3A_311 : i32 to index
        %get3A_313 = arith.constant 0 : index
        %get3A_314 = tpu.vector_load %arg6[%get3A_312, %get3A_313] {strides = array<i32>} : memref<128x128xf32, #tpu.memory_space<vmem>>, vector<1x16xf32>,
        %get3A_315 = vector.shape_cast %get3A_314 : vector<1x16xf32> to vector<16xf32>
        %swap3A_316 = arith.index_cast %add3A_311 : i32 to index
        %swap3A_317 = arith.constant 0 : index
        %swap3A_318 = tpu.vector_load %arg8[%swap3A_316, %swap3A_317] {strides = array<i32>} : memref<128x64xf32, #tpu.memory_space<vmem>>, vector<1x16xf32>,
        %swap3A_319 = vector.shape_cast %swap3A_318 : vector<1x16xf32> to vector<16xf32>
        %swap3A_320 = vector.shape_cast %get3A_315 : vector<16xf32> to vector<1x16xf32>
        tpu.vector_store %arg8[%swap3A_316, %swap3A_317], %swap3A_320 {strides = array<i32>} : memref<128x64xf32, #tpu.memory_space<vmem>>, vector<1x16xf32>,
        %get3A_321 = arith.index_cast %add3A_311 : i32 to index
        %get3A_322 = arith.constant 16 : index
        %get3A_323 = tpu.vector_load %arg6[%get3A_321, %get3A_322] {strides = array<i32>} : memref<128x128xf32, #tpu.memory_space<vmem>>, vector<1x16xf32>,
        %get3A_324 = vector.shape_cast %get3A_323 : vector<1x16xf32> to vector<16xf32>
        %swap3A_325 = arith.index_cast %add3A_311 : i32 to index
        %swap3A_326 = arith.constant 16 : index
        %swap3A_327 = tpu.vector_load %arg8[%swap3A_325, %swap3A_326] {strides = array<i32>} : memref<128x64xf32, #tpu.memory_space<vmem>>, vector<1x16xf32>,
        %swap3A_328 = vector.shape_cast %swap3A_327 : vector<1x16xf32> to vector<16xf32>
        %swap3A_329 = vector.shape_cast %get3A_324 : vector<16xf32> to vector<1x16xf32>
        tpu.vector_store %arg8[%swap3A_325, %swap3A_326], %swap3A_329 {strides = array<i32>} : memref<128x64xf32, #tpu.memory_space<vmem>>, vector<1x16xf32>,
        %get3A_330 = arith.index_cast %add3A_311 : i32 to index
        %get3A_331 = arith.constant 32 : index
        %get3A_332 = tpu.vector_load %arg6[%get3A_330, %get3A_331] {strides = array<i32>} : memref<128x128xf32, #tpu.memory_space<vmem>>, vector<1x16xf32>,
        %get3A_333 = vector.shape_cast %get3A_332 : vector<1x16xf32> to vector<16xf32>
        %swap3A_334 = arith.index_cast %add3A_311 : i32 to index
        %swap3A_335 = arith.constant 32 : index
        %swap3A_336 = tpu.vector_load %arg8[%swap3A_334, %swap3A_335] {strides = array<i32>} : memref<128x64xf32, #tpu.memory_space<vmem>>, vector<1x16xf32>,
        %swap3A_337 = vector.shape_cast %swap3A_336 : vector<1x16xf32> to vector<16xf32>
        %swap3A_338 = vector.shape_cast %get3A_333 : vector<16xf32> to vector<1x16xf32>
        tpu.vector_store %arg8[%swap3A_334, %swap3A_335], %swap3A_338 {strides = array<i32>} : memref<128x64xf32, #tpu.memory_space<vmem>>, vector<1x16xf32>,
        %get3A_339 = arith.index_cast %add3A_311 : i32 to index
        %get3A_340 = arith.constant 48 : index
        %get3A_341 = tpu.vector_load %arg6[%get3A_339, %get3A_340] {strides = array<i32>} : memref<128x128xf32, #tpu.memory_space<vmem>>, vector<1x16xf32>,
        %get3A_342 = vector.shape_cast %get3A_341 : vector<1x16xf32> to vector<16xf32>
        %swap3A_343 = arith.index_cast %add3A_311 : i32 to index
        %swap3A_344 = arith.constant 48 : index
        %swap3A_345 = tpu.vector_load %arg8[%swap3A_343, %swap3A_344] {strides = array<i32>} : memref<128x64xf32, #tpu.memory_space<vmem>>, vector<1x16xf32>,
        %swap3A_346 = vector.shape_cast %swap3A_345 : vector<1x16xf32> to vector<16xf32>
        %swap3A_347 = vector.shape_cast %get3A_342 : vector<16xf32> to vector<1x16xf32>
        tpu.vector_store %arg8[%swap3A_343, %swap3A_344], %swap3A_347 {strides = array<i32>} : memref<128x64xf32, #tpu.memory_space<vmem>>, vector<1x16xf32>,
        %mul3A_348 = arith.constant 16 : i32
        %mul3A_349 = arith.muli %mul3A_348, %scan3A_109 : i32
        %add3A_350 = arith.constant 6 : i32
        %add3A_351 = arith.addi %mul3A_349, %add3A_350 : i32
        %get3A_352 = arith.index_cast %add3A_351 : i32 to index
        %get3A_353 = arith.constant 0 : index
        %get3A_354 = tpu.vector_load %arg6[%get3A_352, %get3A_353] {strides = array<i32>} : memref<128x128xf32, #tpu.memory_space<vmem>>, vector<1x16xf32>,
        %get3A_355 = vector.shape_cast %get3A_354 : vector<1x16xf32> to vector<16xf32>
        %swap3A_356 = arith.index_cast %add3A_351 : i32 to index
        %swap3A_357 = arith.constant 0 : index
        %swap3A_358 = tpu.vector_load %arg8[%swap3A_356, %swap3A_357] {strides = array<i32>} : memref<128x64xf32, #tpu.memory_space<vmem>>, vector<1x16xf32>,
        %swap3A_359 = vector.shape_cast %swap3A_358 : vector<1x16xf32> to vector<16xf32>
        %swap3A_360 = vector.shape_cast %get3A_355 : vector<16xf32> to vector<1x16xf32>
        tpu.vector_store %arg8[%swap3A_356, %swap3A_357], %swap3A_360 {strides = array<i32>} : memref<128x64xf32, #tpu.memory_space<vmem>>, vector<1x16xf32>,
        %get3A_361 = arith.index_cast %add3A_351 : i32 to index
        %get3A_362 = arith.constant 16 : index
        %get3A_363 = tpu.vector_load %arg6[%get3A_361, %get3A_362] {strides = array<i32>} : memref<128x128xf32, #tpu.memory_space<vmem>>, vector<1x16xf32>,
        %get3A_364 = vector.shape_cast %get3A_363 : vector<1x16xf32> to vector<16xf32>
        %swap3A_365 = arith.index_cast %add3A_351 : i32 to index
        %swap3A_366 = arith.constant 16 : index
        %swap3A_367 = tpu.vector_load %arg8[%swap3A_365, %swap3A_366] {strides = array<i32>} : memref<128x64xf32, #tpu.memory_space<vmem>>, vector<1x16xf32>,
        %swap3A_368 = vector.shape_cast %swap3A_367 : vector<1x16xf32> to vector<16xf32>
        %swap3A_369 = vector.shape_cast %get3A_364 : vector<16xf32> to vector<1x16xf32>
        tpu.vector_store %arg8[%swap3A_365, %swap3A_366], %swap3A_369 {strides = array<i32>} : memref<128x64xf32, #tpu.memory_space<vmem>>, vector<1x16xf32>,
        %get3A_370 = arith.index_cast %add3A_351 : i32 to index
        %get3A_371 = arith.constant 32 : index
        %get3A_372 = tpu.vector_load %arg6[%get3A_370, %get3A_371] {strides = array<i32>} : memref<128x128xf32, #tpu.memory_space<vmem>>, vector<1x16xf32>,
        %get3A_373 = vector.shape_cast %get3A_372 : vector<1x16xf32> to vector<16xf32>
        %swap3A_374 = arith.index_cast %add3A_351 : i32 to index
        %swap3A_375 = arith.constant 32 : index
        %swap3A_376 = tpu.vector_load %arg8[%swap3A_374, %swap3A_375] {strides = array<i32>} : memref<128x64xf32, #tpu.memory_space<vmem>>, vector<1x16xf32>,
        %swap3A_377 = vector.shape_cast %swap3A_376 : vector<1x16xf32> to vector<16xf32>
        %swap3A_378 = vector.shape_cast %get3A_373 : vector<16xf32> to vector<1x16xf32>
        tpu.vector_store %arg8[%swap3A_374, %swap3A_375], %swap3A_378 {strides = array<i32>} : memref<128x64xf32, #tpu.memory_space<vmem>>, vector<1x16xf32>,
        %get3A_379 = arith.index_cast %add3A_351 : i32 to index
        %get3A_380 = arith.constant 48 : index
        %get3A_381 = tpu.vector_load %arg6[%get3A_379, %get3A_380] {strides = array<i32>} : memref<128x128xf32, #tpu.memory_space<vmem>>, vector<1x16xf32>,
        %get3A_382 = vector.shape_cast %get3A_381 : vector<1x16xf32> to vector<16xf32>
        %swap3A_383 = arith.index_cast %add3A_351 : i32 to index
        %swap3A_384 = arith.constant 48 : index
        %swap3A_385 = tpu.vector_load %arg8[%swap3A_383, %swap3A_384] {strides = array<i32>} : memref<128x64xf32, #tpu.memory_space<vmem>>, vector<1x16xf32>,
        %swap3A_386 = vector.shape_cast %swap3A_385 : vector<1x16xf32> to vector<16xf32>
        %swap3A_387 = vector.shape_cast %get3A_382 : vector<16xf32> to vector<1x16xf32>
        tpu.vector_store %arg8[%swap3A_383, %swap3A_384], %swap3A_387 {strides = array<i32>} : memref<128x64xf32, #tpu.memory_space<vmem>>, vector<1x16xf32>,
        %mul3A_388 = arith.constant 16 : i32
        %mul3A_389 = arith.muli %mul3A_388, %scan3A_109 : i32
        %add3A_390 = arith.constant 7 : i32
        %add3A_391 = arith.addi %mul3A_389, %add3A_390 : i32
        %get3A_392 = arith.index_cast %add3A_391 : i32 to index
        %get3A_393 = arith.constant 0 : index
        %get3A_394 = tpu.vector_load %arg6[%get3A_392, %get3A_393] {strides = array<i32>} : memref<128x128xf32, #tpu.memory_space<vmem>>, vector<1x16xf32>,
        %get3A_395 = vector.shape_cast %get3A_394 : vector<1x16xf32> to vector<16xf32>
        %swap3A_396 = arith.index_cast %add3A_391 : i32 to index
        %swap3A_397 = arith.constant 0 : index
        %swap3A_398 = tpu.vector_load %arg8[%swap3A_396, %swap3A_397] {strides = array<i32>} : memref<128x64xf32, #tpu.memory_space<vmem>>, vector<1x16xf32>,
        %swap3A_399 = vector.shape_cast %swap3A_398 : vector<1x16xf32> to vector<16xf32>
        %swap3A_400 = vector.shape_cast %get3A_395 : vector<16xf32> to vector<1x16xf32>
        tpu.vector_store %arg8[%swap3A_396, %swap3A_397], %swap3A_400 {strides = array<i32>} : memref<128x64xf32, #tpu.memory_space<vmem>>, vector<1x16xf32>,
        %get3A_401 = arith.index_cast %add3A_391 : i32 to index
        %get3A_402 = arith.constant 16 : index
        %get3A_403 = tpu.vector_load %arg6[%get3A_401, %get3A_402] {strides = array<i32>} : memref<128x128xf32, #tpu.memory_space<vmem>>, vector<1x16xf32>,
        %get3A_404 = vector.shape_cast %get3A_403 : vector<1x16xf32> to vector<16xf32>
        %swap3A_405 = arith.index_cast %add3A_391 : i32 to index
        %swap3A_406 = arith.constant 16 : index
        %swap3A_407 = tpu.vector_load %arg8[%swap3A_405, %swap3A_406] {strides = array<i32>} : memref<128x64xf32, #tpu.memory_space<vmem>>, vector<1x16xf32>,
        %swap3A_408 = vector.shape_cast %swap3A_407 : vector<1x16xf32> to vector<16xf32>
        %swap3A_409 = vector.shape_cast %get3A_404 : vector<16xf32> to vector<1x16xf32>
        tpu.vector_store %arg8[%swap3A_405, %swap3A_406], %swap3A_409 {strides = array<i32>} : memref<128x64xf32, #tpu.memory_space<vmem>>, vector<1x16xf32>,
        %get3A_410 = arith.index_cast %add3A_391 : i32 to index
        %get3A_411 = arith.constant 32 : index
        %get3A_412 = tpu.vector_load %arg6[%get3A_410, %get3A_411] {strides = array<i32>} : memref<128x128xf32, #tpu.memory_space<vmem>>, vector<1x16xf32>,
        %get3A_413 = vector.shape_cast %get3A_412 : vector<1x16xf32> to vector<16xf32>
        %swap3A_414 = arith.index_cast %add3A_391 : i32 to index
        %swap3A_415 = arith.constant 32 : index
        %swap3A_416 = tpu.vector_load %arg8[%swap3A_414, %swap3A_415] {strides = array<i32>} : memref<128x64xf32, #tpu.memory_space<vmem>>, vector<1x16xf32>,
        %swap3A_417 = vector.shape_cast %swap3A_416 : vector<1x16xf32> to vector<16xf32>
        %swap3A_418 = vector.shape_cast %get3A_413 : vector<16xf32> to vector<1x16xf32>
        tpu.vector_store %arg8[%swap3A_414, %swap3A_415], %swap3A_418 {strides = array<i32>} : memref<128x64xf32, #tpu.memory_space<vmem>>, vector<1x16xf32>,
        %get3A_419 = arith.index_cast %add3A_391 : i32 to index
        %get3A_420 = arith.constant 48 : index
        %get3A_421 = tpu.vector_load %arg6[%get3A_419, %get3A_420] {strides = array<i32>} : memref<128x128xf32, #tpu.memory_space<vmem>>, vector<1x16xf32>,
        %get3A_422 = vector.shape_cast %get3A_421 : vector<1x16xf32> to vector<16xf32>
        %swap3A_423 = arith.index_cast %add3A_391 : i32 to index
        %swap3A_424 = arith.constant 48 : index
        %swap3A_425 = tpu.vector_load %arg8[%swap3A_423, %swap3A_424] {strides = array<i32>} : memref<128x64xf32, #tpu.memory_space<vmem>>, vector<1x16xf32>,
        %swap3A_426 = vector.shape_cast %swap3A_425 : vector<1x16xf32> to vector<16xf32>
        %swap3A_427 = vector.shape_cast %get3A_422 : vector<16xf32> to vector<1x16xf32>
        tpu.vector_store %arg8[%swap3A_423, %swap3A_424], %swap3A_427 {strides = array<i32>} : memref<128x64xf32, #tpu.memory_space<vmem>>, vector<1x16xf32>,
        %mul3A_428 = arith.constant 16 : i32
        %mul3A_429 = arith.muli %mul3A_428, %scan3A_109 : i32
        %add3A_430 = arith.constant 8 : i32
        %add3A_431 = arith.addi %mul3A_429, %add3A_430 : i32
        %get3A_432 = arith.index_cast %add3A_431 : i32 to index
        %get3A_433 = arith.constant 0 : index
        %get3A_434 = tpu.vector_load %arg6[%get3A_432, %get3A_433] {strides = array<i32>} : memref<128x128xf32, #tpu.memory_space<vmem>>, vector<1x16xf32>,
        %get3A_435 = vector.shape_cast %get3A_434 : vector<1x16xf32> to vector<16xf32>
        %swap3A_436 = arith.index_cast %add3A_431 : i32 to index
        %swap3A_437 = arith.constant 0 : index
        %swap3A_438 = tpu.vector_load %arg8[%swap3A_436, %swap3A_437] {strides = array<i32>} : memref<128x64xf32, #tpu.memory_space<vmem>>, vector<1x16xf32>,
        %swap3A_439 = vector.shape_cast %swap3A_438 : vector<1x16xf32> to vector<16xf32>
        %swap3A_440 = vector.shape_cast %get3A_435 : vector<16xf32> to vector<1x16xf32>
        tpu.vector_store %arg8[%swap3A_436, %swap3A_437], %swap3A_440 {strides = array<i32>} : memref<128x64xf32, #tpu.memory_space<vmem>>, vector<1x16xf32>,
        %get3A_441 = arith.index_cast %add3A_431 : i32 to index
        %get3A_442 = arith.constant 16 : index
        %get3A_443 = tpu.vector_load %arg6[%get3A_441, %get3A_442] {strides = array<i32>} : memref<128x128xf32, #tpu.memory_space<vmem>>, vector<1x16xf32>,
        %get3A_444 = vector.shape_cast %get3A_443 : vector<1x16xf32> to vector<16xf32>
        %swap3A_445 = arith.index_cast %add3A_431 : i32 to index
        %swap3A_446 = arith.constant 16 : index
        %swap3A_447 = tpu.vector_load %arg8[%swap3A_445, %swap3A_446] {strides = array<i32>} : memref<128x64xf32, #tpu.memory_space<vmem>>, vector<1x16xf32>,
        %swap3A_448 = vector.shape_cast %swap3A_447 : vector<1x16xf32> to vector<16xf32>
        %swap3A_449 = vector.shape_cast %get3A_444 : vector<16xf32> to vector<1x16xf32>
        tpu.vector_store %arg8[%swap3A_445, %swap3A_446], %swap3A_449 {strides = array<i32>} : memref<128x64xf32, #tpu.memory_space<vmem>>, vector<1x16xf32>,
        %get3A_450 = arith.index_cast %add3A_431 : i32 to index
        %get3A_451 = arith.constant 32 : index
        %get3A_452 = tpu.vector_load %arg6[%get3A_450, %get3A_451] {strides = array<i32>} : memref<128x128xf32, #tpu.memory_space<vmem>>, vector<1x16xf32>,
        %get3A_453 = vector.shape_cast %get3A_452 : vector<1x16xf32> to vector<16xf32>
        %swap3A_454 = arith.index_cast %add3A_431 : i32 to index
        %swap3A_455 = arith.constant 32 : index
        %swap3A_456 = tpu.vector_load %arg8[%swap3A_454, %swap3A_455] {strides = array<i32>} : memref<128x64xf32, #tpu.memory_space<vmem>>, vector<1x16xf32>,
        %swap3A_457 = vector.shape_cast %swap3A_456 : vector<1x16xf32> to vector<16xf32>
        %swap3A_458 = vector.shape_cast %get3A_453 : vector<16xf32> to vector<1x16xf32>
        tpu.vector_store %arg8[%swap3A_454, %swap3A_455], %swap3A_458 {strides = array<i32>} : memref<128x64xf32, #tpu.memory_space<vmem>>, vector<1x16xf32>,
        %get3A_459 = arith.index_cast %add3A_431 : i32 to index
        %get3A_460 = arith.constant 48 : index
        %get3A_461 = tpu.vector_load %arg6[%get3A_459, %get3A_460] {strides = array<i32>} : memref<128x128xf32, #tpu.memory_space<vmem>>, vector<1x16xf32>,
        %get3A_462 = vector.shape_cast %get3A_461 : vector<1x16xf32> to vector<16xf32>
        %swap3A_463 = arith.index_cast %add3A_431 : i32 to index
        %swap3A_464 = arith.constant 48 : index
        %swap3A_465 = tpu.vector_load %arg8[%swap3A_463, %swap3A_464] {strides = array<i32>} : memref<128x64xf32, #tpu.memory_space<vmem>>, vector<1x16xf32>,
        %swap3A_466 = vector.shape_cast %swap3A_465 : vector<1x16xf32> to vector<16xf32>
        %swap3A_467 = vector.shape_cast %get3A_462 : vector<16xf32> to vector<1x16xf32>
        tpu.vector_store %arg8[%swap3A_463, %swap3A_464], %swap3A_467 {strides = array<i32>} : memref<128x64xf32, #tpu.memory_space<vmem>>, vector<1x16xf32>,
        %mul3A_468 = arith.constant 16 : i32
        %mul3A_469 = arith.muli %mul3A_468, %scan3A_109 : i32
        %add3A_470 = arith.constant 9 : i32
        %add3A_471 = arith.addi %mul3A_469, %add3A_470 : i32
        %get3A_472 = arith.index_cast %add3A_471 : i32 to index
        %get3A_473 = arith.constant 0 : index
        %get3A_474 = tpu.vector_load %arg6[%get3A_472, %get3A_473] {strides = array<i32>} : memref<128x128xf32, #tpu.memory_space<vmem>>, vector<1x16xf32>,
        %get3A_475 = vector.shape_cast %get3A_474 : vector<1x16xf32> to vector<16xf32>
        %swap3A_476 = arith.index_cast %add3A_471 : i32 to index
        %swap3A_477 = arith.constant 0 : index
        %swap3A_478 = tpu.vector_load %arg8[%swap3A_476, %swap3A_477] {strides = array<i32>} : memref<128x64xf32, #tpu.memory_space<vmem>>, vector<1x16xf32>,
        %swap3A_479 = vector.shape_cast %swap3A_478 : vector<1x16xf32> to vector<16xf32>
        %swap3A_480 = vector.shape_cast %get3A_475 : vector<16xf32> to vector<1x16xf32>
        tpu.vector_store %arg8[%swap3A_476, %swap3A_477], %swap3A_480 {strides = array<i32>} : memref<128x64xf32, #tpu.memory_space<vmem>>, vector<1x16xf32>,
        %get3A_481 = arith.index_cast %add3A_471 : i32 to index
        %get3A_482 = arith.constant 16 : index
        %get3A_483 = tpu.vector_load %arg6[%get3A_481, %get3A_482] {strides = array<i32>} : memref<128x128xf32, #tpu.memory_space<vmem>>, vector<1x16xf32>,
        %get3A_484 = vector.shape_cast %get3A_483 : vector<1x16xf32> to vector<16xf32>
        %swap3A_485 = arith.index_cast %add3A_471 : i32 to index
        %swap3A_486 = arith.constant 16 : index
        %swap3A_487 = tpu.vector_load %arg8[%swap3A_485, %swap3A_486] {strides = array<i32>} : memref<128x64xf32, #tpu.memory_space<vmem>>, vector<1x16xf32>,
        %swap3A_488 = vector.shape_cast %swap3A_487 : vector<1x16xf32> to vector<16xf32>
        %swap3A_489 = vector.shape_cast %get3A_484 : vector<16xf32> to vector<1x16xf32>
        tpu.vector_store %arg8[%swap3A_485, %swap3A_486], %swap3A_489 {strides = array<i32>} : memref<128x64xf32, #tpu.memory_space<vmem>>, vector<1x16xf32>,
        %get3A_490 = arith.index_cast %add3A_471 : i32 to index
        %get3A_491 = arith.constant 32 : index
        %get3A_492 = tpu.vector_load %arg6[%get3A_490, %get3A_491] {strides = array<i32>} : memref<128x128xf32, #tpu.memory_space<vmem>>, vector<1x16xf32>,
        %get3A_493 = vector.shape_cast %get3A_492 : vector<1x16xf32> to vector<16xf32>
        %swap3A_494 = arith.index_cast %add3A_471 : i32 to index
        %swap3A_495 = arith.constant 32 : index
        %swap3A_496 = tpu.vector_load %arg8[%swap3A_494, %swap3A_495] {strides = array<i32>} : memref<128x64xf32, #tpu.memory_space<vmem>>, vector<1x16xf32>,
        %swap3A_497 = vector.shape_cast %swap3A_496 : vector<1x16xf32> to vector<16xf32>
        %swap3A_498 = vector.shape_cast %get3A_493 : vector<16xf32> to vector<1x16xf32>
        tpu.vector_store %arg8[%swap3A_494, %swap3A_495], %swap3A_498 {strides = array<i32>} : memref<128x64xf32, #tpu.memory_space<vmem>>, vector<1x16xf32>,
        %get3A_499 = arith.index_cast %add3A_471 : i32 to index
        %get3A_500 = arith.constant 48 : index
        %get3A_501 = tpu.vector_load %arg6[%get3A_499, %get3A_500] {strides = array<i32>} : memref<128x128xf32, #tpu.memory_space<vmem>>, vector<1x16xf32>,
        %get3A_502 = vector.shape_cast %get3A_501 : vector<1x16xf32> to vector<16xf32>
        %swap3A_503 = arith.index_cast %add3A_471 : i32 to index
        %swap3A_504 = arith.constant 48 : index
        %swap3A_505 = tpu.vector_load %arg8[%swap3A_503, %swap3A_504] {strides = array<i32>} : memref<128x64xf32, #tpu.memory_space<vmem>>, vector<1x16xf32>,
        %swap3A_506 = vector.shape_cast %swap3A_505 : vector<1x16xf32> to vector<16xf32>
        %swap3A_507 = vector.shape_cast %get3A_502 : vector<16xf32> to vector<1x16xf32>
        tpu.vector_store %arg8[%swap3A_503, %swap3A_504], %swap3A_507 {strides = array<i32>} : memref<128x64xf32, #tpu.memory_space<vmem>>, vector<1x16xf32>,
        %mul3A_508 = arith.constant 16 : i32
        %mul3A_509 = arith.muli %mul3A_508, %scan3A_109 : i32
        %add3A_510 = arith.constant 10 : i32
        %add3A_511 = arith.addi %mul3A_509, %add3A_510 : i32
        %get3A_512 = arith.index_cast %add3A_511 : i32 to index
        %get3A_513 = arith.constant 0 : index
        %get3A_514 = tpu.vector_load %arg6[%get3A_512, %get3A_513] {strides = array<i32>} : memref<128x128xf32, #tpu.memory_space<vmem>>, vector<1x16xf32>,
        %get3A_515 = vector.shape_cast %get3A_514 : vector<1x16xf32> to vector<16xf32>
        %swap3A_516 = arith.index_cast %add3A_511 : i32 to index
        %swap3A_517 = arith.constant 0 : index
        %swap3A_518 = tpu.vector_load %arg8[%swap3A_516, %swap3A_517] {strides = array<i32>} : memref<128x64xf32, #tpu.memory_space<vmem>>, vector<1x16xf32>,
        %swap3A_519 = vector.shape_cast %swap3A_518 : vector<1x16xf32> to vector<16xf32>
        %swap3A_520 = vector.shape_cast %get3A_515 : vector<16xf32> to vector<1x16xf32>
        tpu.vector_store %arg8[%swap3A_516, %swap3A_517], %swap3A_520 {strides = array<i32>} : memref<128x64xf32, #tpu.memory_space<vmem>>, vector<1x16xf32>,
        %get3A_521 = arith.index_cast %add3A_511 : i32 to index
        %get3A_522 = arith.constant 16 : index
        %get3A_523 = tpu.vector_load %arg6[%get3A_521, %get3A_522] {strides = array<i32>} : memref<128x128xf32, #tpu.memory_space<vmem>>, vector<1x16xf32>,
        %get3A_524 = vector.shape_cast %get3A_523 : vector<1x16xf32> to vector<16xf32>
        %swap3A_525 = arith.index_cast %add3A_511 : i32 to index
        %swap3A_526 = arith.constant 16 : index
        %swap3A_527 = tpu.vector_load %arg8[%swap3A_525, %swap3A_526] {strides = array<i32>} : memref<128x64xf32, #tpu.memory_space<vmem>>, vector<1x16xf32>,
        %swap3A_528 = vector.shape_cast %swap3A_527 : vector<1x16xf32> to vector<16xf32>
        %swap3A_529 = vector.shape_cast %get3A_524 : vector<16xf32> to vector<1x16xf32>
        tpu.vector_store %arg8[%swap3A_525, %swap3A_526], %swap3A_529 {strides = array<i32>} : memref<128x64xf32, #tpu.memory_space<vmem>>, vector<1x16xf32>,
        %get3A_530 = arith.index_cast %add3A_511 : i32 to index
        %get3A_531 = arith.constant 32 : index
        %get3A_532 = tpu.vector_load %arg6[%get3A_530, %get3A_531] {strides = array<i32>} : memref<128x128xf32, #tpu.memory_space<vmem>>, vector<1x16xf32>,
        %get3A_533 = vector.shape_cast %get3A_532 : vector<1x16xf32> to vector<16xf32>
        %swap3A_534 = arith.index_cast %add3A_511 : i32 to index
        %swap3A_535 = arith.constant 32 : index
        %swap3A_536 = tpu.vector_load %arg8[%swap3A_534, %swap3A_535] {strides = array<i32>} : memref<128x64xf32, #tpu.memory_space<vmem>>, vector<1x16xf32>,
        %swap3A_537 = vector.shape_cast %swap3A_536 : vector<1x16xf32> to vector<16xf32>
        %swap3A_538 = vector.shape_cast %get3A_533 : vector<16xf32> to vector<1x16xf32>
        tpu.vector_store %arg8[%swap3A_534, %swap3A_535], %swap3A_538 {strides = array<i32>} : memref<128x64xf32, #tpu.memory_space<vmem>>, vector<1x16xf32>,
        %get3A_539 = arith.index_cast %add3A_511 : i32 to index
        %get3A_540 = arith.constant 48 : index
        %get3A_541 = tpu.vector_load %arg6[%get3A_539, %get3A_540] {strides = array<i32>} : memref<128x128xf32, #tpu.memory_space<vmem>>, vector<1x16xf32>,
        %get3A_542 = vector.shape_cast %get3A_541 : vector<1x16xf32> to vector<16xf32>
        %swap3A_543 = arith.index_cast %add3A_511 : i32 to index
        %swap3A_544 = arith.constant 48 : index
        %swap3A_545 = tpu.vector_load %arg8[%swap3A_543, %swap3A_544] {strides = array<i32>} : memref<128x64xf32, #tpu.memory_space<vmem>>, vector<1x16xf32>,
        %swap3A_546 = vector.shape_cast %swap3A_545 : vector<1x16xf32> to vector<16xf32>
        %swap3A_547 = vector.shape_cast %get3A_542 : vector<16xf32> to vector<1x16xf32>
        tpu.vector_store %arg8[%swap3A_543, %swap3A_544], %swap3A_547 {strides = array<i32>} : memref<128x64xf32, #tpu.memory_space<vmem>>, vector<1x16xf32>,
        %mul3A_548 = arith.constant 16 : i32
        %mul3A_549 = arith.muli %mul3A_548, %scan3A_109 : i32
        %add3A_550 = arith.constant 11 : i32
        %add3A_551 = arith.addi %mul3A_549, %add3A_550 : i32
        %get3A_552 = arith.index_cast %add3A_551 : i32 to index
        %get3A_553 = arith.constant 0 : index
        %get3A_554 = tpu.vector_load %arg6[%get3A_552, %get3A_553] {strides = array<i32>} : memref<128x128xf32, #tpu.memory_space<vmem>>, vector<1x16xf32>,
        %get3A_555 = vector.shape_cast %get3A_554 : vector<1x16xf32> to vector<16xf32>
        %swap3A_556 = arith.index_cast %add3A_551 : i32 to index
        %swap3A_557 = arith.constant 0 : index
        %swap3A_558 = tpu.vector_load %arg8[%swap3A_556, %swap3A_557] {strides = array<i32>} : memref<128x64xf32, #tpu.memory_space<vmem>>, vector<1x16xf32>,
        %swap3A_559 = vector.shape_cast %swap3A_558 : vector<1x16xf32> to vector<16xf32>
        %swap3A_560 = vector.shape_cast %get3A_555 : vector<16xf32> to vector<1x16xf32>
        tpu.vector_store %arg8[%swap3A_556, %swap3A_557], %swap3A_560 {strides = array<i32>} : memref<128x64xf32, #tpu.memory_space<vmem>>, vector<1x16xf32>,
        %get3A_561 = arith.index_cast %add3A_551 : i32 to index
        %get3A_562 = arith.constant 16 : index
        %get3A_563 = tpu.vector_load %arg6[%get3A_561, %get3A_562] {strides = array<i32>} : memref<128x128xf32, #tpu.memory_space<vmem>>, vector<1x16xf32>,
        %get3A_564 = vector.shape_cast %get3A_563 : vector<1x16xf32> to vector<16xf32>
        %swap3A_565 = arith.index_cast %add3A_551 : i32 to index
        %swap3A_566 = arith.constant 16 : index
        %swap3A_567 = tpu.vector_load %arg8[%swap3A_565, %swap3A_566] {strides = array<i32>} : memref<128x64xf32, #tpu.memory_space<vmem>>, vector<1x16xf32>,
        %swap3A_568 = vector.shape_cast %swap3A_567 : vector<1x16xf32> to vector<16xf32>
        %swap3A_569 = vector.shape_cast %get3A_564 : vector<16xf32> to vector<1x16xf32>
        tpu.vector_store %arg8[%swap3A_565, %swap3A_566], %swap3A_569 {strides = array<i32>} : memref<128x64xf32, #tpu.memory_space<vmem>>, vector<1x16xf32>,
        %get3A_570 = arith.index_cast %add3A_551 : i32 to index
        %get3A_571 = arith.constant 32 : index
        %get3A_572 = tpu.vector_load %arg6[%get3A_570, %get3A_571] {strides = array<i32>} : memref<128x128xf32, #tpu.memory_space<vmem>>, vector<1x16xf32>,
        %get3A_573 = vector.shape_cast %get3A_572 : vector<1x16xf32> to vector<16xf32>
        %swap3A_574 = arith.index_cast %add3A_551 : i32 to index
        %swap3A_575 = arith.constant 32 : index
        %swap3A_576 = tpu.vector_load %arg8[%swap3A_574, %swap3A_575] {strides = array<i32>} : memref<128x64xf32, #tpu.memory_space<vmem>>, vector<1x16xf32>,
        %swap3A_577 = vector.shape_cast %swap3A_576 : vector<1x16xf32> to vector<16xf32>
        %swap3A_578 = vector.shape_cast %get3A_573 : vector<16xf32> to vector<1x16xf32>
        tpu.vector_store %arg8[%swap3A_574, %swap3A_575], %swap3A_578 {strides = array<i32>} : memref<128x64xf32, #tpu.memory_space<vmem>>, vector<1x16xf32>,
        %get3A_579 = arith.index_cast %add3A_551 : i32 to index
        %get3A_580 = arith.constant 48 : index
        %get3A_581 = tpu.vector_load %arg6[%get3A_579, %get3A_580] {strides = array<i32>} : memref<128x128xf32, #tpu.memory_space<vmem>>, vector<1x16xf32>,
        %get3A_582 = vector.shape_cast %get3A_581 : vector<1x16xf32> to vector<16xf32>
        %swap3A_583 = arith.index_cast %add3A_551 : i32 to index
        %swap3A_584 = arith.constant 48 : index
        %swap3A_585 = tpu.vector_load %arg8[%swap3A_583, %swap3A_584] {strides = array<i32>} : memref<128x64xf32, #tpu.memory_space<vmem>>, vector<1x16xf32>,
        %swap3A_586 = vector.shape_cast %swap3A_585 : vector<1x16xf32> to vector<16xf32>
        %swap3A_587 = vector.shape_cast %get3A_582 : vector<16xf32> to vector<1x16xf32>
        tpu.vector_store %arg8[%swap3A_583, %swap3A_584], %swap3A_587 {strides = array<i32>} : memref<128x64xf32, #tpu.memory_space<vmem>>, vector<1x16xf32>,
        %mul3A_588 = arith.constant 16 : i32
        %mul3A_589 = arith.muli %mul3A_588, %scan3A_109 : i32
        %add3A_590 = arith.constant 12 : i32
        %add3A_591 = arith.addi %mul3A_589, %add3A_590 : i32
        %get3A_592 = arith.index_cast %add3A_591 : i32 to index
        %get3A_593 = arith.constant 0 : index
        %get3A_594 = tpu.vector_load %arg6[%get3A_592, %get3A_593] {strides = array<i32>} : memref<128x128xf32, #tpu.memory_space<vmem>>, vector<1x16xf32>,
        %get3A_595 = vector.shape_cast %get3A_594 : vector<1x16xf32> to vector<16xf32>
        %swap3A_596 = arith.index_cast %add3A_591 : i32 to index
        %swap3A_597 = arith.constant 0 : index
        %swap3A_598 = tpu.vector_load %arg8[%swap3A_596, %swap3A_597] {strides = array<i32>} : memref<128x64xf32, #tpu.memory_space<vmem>>, vector<1x16xf32>,
        %swap3A_599 = vector.shape_cast %swap3A_598 : vector<1x16xf32> to vector<16xf32>
        %swap3A_600 = vector.shape_cast %get3A_595 : vector<16xf32> to vector<1x16xf32>
        tpu.vector_store %arg8[%swap3A_596, %swap3A_597], %swap3A_600 {strides = array<i32>} : memref<128x64xf32, #tpu.memory_space<vmem>>, vector<1x16xf32>,
        %get3A_601 = arith.index_cast %add3A_591 : i32 to index
        %get3A_602 = arith.constant 16 : index
        %get3A_603 = tpu.vector_load %arg6[%get3A_601, %get3A_602] {strides = array<i32>} : memref<128x128xf32, #tpu.memory_space<vmem>>, vector<1x16xf32>,
        %get3A_604 = vector.shape_cast %get3A_603 : vector<1x16xf32> to vector<16xf32>
        %swap3A_605 = arith.index_cast %add3A_591 : i32 to index
        %swap3A_606 = arith.constant 16 : index
        %swap3A_607 = tpu.vector_load %arg8[%swap3A_605, %swap3A_606] {strides = array<i32>} : memref<128x64xf32, #tpu.memory_space<vmem>>, vector<1x16xf32>,
        %swap3A_608 = vector.shape_cast %swap3A_607 : vector<1x16xf32> to vector<16xf32>
        %swap3A_609 = vector.shape_cast %get3A_604 : vector<16xf32> to vector<1x16xf32>
        tpu.vector_store %arg8[%swap3A_605, %swap3A_606], %swap3A_609 {strides = array<i32>} : memref<128x64xf32, #tpu.memory_space<vmem>>, vector<1x16xf32>,
        %get3A_610 = arith.index_cast %add3A_591 : i32 to index
        %get3A_611 = arith.constant 32 : index
        %get3A_612 = tpu.vector_load %arg6[%get3A_610, %get3A_611] {strides = array<i32>} : memref<128x128xf32, #tpu.memory_space<vmem>>, vector<1x16xf32>,
        %get3A_613 = vector.shape_cast %get3A_612 : vector<1x16xf32> to vector<16xf32>
        %swap3A_614 = arith.index_cast %add3A_591 : i32 to index
        %swap3A_615 = arith.constant 32 : index
        %swap3A_616 = tpu.vector_load %arg8[%swap3A_614, %swap3A_615] {strides = array<i32>} : memref<128x64xf32, #tpu.memory_space<vmem>>, vector<1x16xf32>,
        %swap3A_617 = vector.shape_cast %swap3A_616 : vector<1x16xf32> to vector<16xf32>
        %swap3A_618 = vector.shape_cast %get3A_613 : vector<16xf32> to vector<1x16xf32>
        tpu.vector_store %arg8[%swap3A_614, %swap3A_615], %swap3A_618 {strides = array<i32>} : memref<128x64xf32, #tpu.memory_space<vmem>>, vector<1x16xf32>,
        %get3A_619 = arith.index_cast %add3A_591 : i32 to index
        %get3A_620 = arith.constant 48 : index
        %get3A_621 = tpu.vector_load %arg6[%get3A_619, %get3A_620] {strides = array<i32>} : memref<128x128xf32, #tpu.memory_space<vmem>>, vector<1x16xf32>,
        %get3A_622 = vector.shape_cast %get3A_621 : vector<1x16xf32> to vector<16xf32>
        %swap3A_623 = arith.index_cast %add3A_591 : i32 to index
        %swap3A_624 = arith.constant 48 : index
        %swap3A_625 = tpu.vector_load %arg8[%swap3A_623, %swap3A_624] {strides = array<i32>} : memref<128x64xf32, #tpu.memory_space<vmem>>, vector<1x16xf32>,
        %swap3A_626 = vector.shape_cast %swap3A_625 : vector<1x16xf32> to vector<16xf32>
        %swap3A_627 = vector.shape_cast %get3A_622 : vector<16xf32> to vector<1x16xf32>
        tpu.vector_store %arg8[%swap3A_623, %swap3A_624], %swap3A_627 {strides = array<i32>} : memref<128x64xf32, #tpu.memory_space<vmem>>, vector<1x16xf32>,
        %mul3A_628 = arith.constant 16 : i32
        %mul3A_629 = arith.muli %mul3A_628, %scan3A_109 : i32
        %add3A_630 = arith.constant 13 : i32
        %add3A_631 = arith.addi %mul3A_629, %add3A_630 : i32
        %get3A_632 = arith.index_cast %add3A_631 : i32 to index
        %get3A_633 = arith.constant 0 : index
        %get3A_634 = tpu.vector_load %arg6[%get3A_632, %get3A_633] {strides = array<i32>} : memref<128x128xf32, #tpu.memory_space<vmem>>, vector<1x16xf32>,
        %get3A_635 = vector.shape_cast %get3A_634 : vector<1x16xf32> to vector<16xf32>
        %swap3A_636 = arith.index_cast %add3A_631 : i32 to index
        %swap3A_637 = arith.constant 0 : index
        %swap3A_638 = tpu.vector_load %arg8[%swap3A_636, %swap3A_637] {strides = array<i32>} : memref<128x64xf32, #tpu.memory_space<vmem>>, vector<1x16xf32>,
        %swap3A_639 = vector.shape_cast %swap3A_638 : vector<1x16xf32> to vector<16xf32>
        %swap3A_640 = vector.shape_cast %get3A_635 : vector<16xf32> to vector<1x16xf32>
        tpu.vector_store %arg8[%swap3A_636, %swap3A_637], %swap3A_640 {strides = array<i32>} : memref<128x64xf32, #tpu.memory_space<vmem>>, vector<1x16xf32>,
        %get3A_641 = arith.index_cast %add3A_631 : i32 to index
        %get3A_642 = arith.constant 16 : index
        %get3A_643 = tpu.vector_load %arg6[%get3A_641, %get3A_642] {strides = array<i32>} : memref<128x128xf32, #tpu.memory_space<vmem>>, vector<1x16xf32>,
        %get3A_644 = vector.shape_cast %get3A_643 : vector<1x16xf32> to vector<16xf32>
        %swap3A_645 = arith.index_cast %add3A_631 : i32 to index
        %swap3A_646 = arith.constant 16 : index
        %swap3A_647 = tpu.vector_load %arg8[%swap3A_645, %swap3A_646] {strides = array<i32>} : memref<128x64xf32, #tpu.memory_space<vmem>>, vector<1x16xf32>,
        %swap3A_648 = vector.shape_cast %swap3A_647 : vector<1x16xf32> to vector<16xf32>
        %swap3A_649 = vector.shape_cast %get3A_644 : vector<16xf32> to vector<1x16xf32>
        tpu.vector_store %arg8[%swap3A_645, %swap3A_646], %swap3A_649 {strides = array<i32>} : memref<128x64xf32, #tpu.memory_space<vmem>>, vector<1x16xf32>,
        %get3A_650 = arith.index_cast %add3A_631 : i32 to index
        %get3A_651 = arith.constant 32 : index
        %get3A_652 = tpu.vector_load %arg6[%get3A_650, %get3A_651] {strides = array<i32>} : memref<128x128xf32, #tpu.memory_space<vmem>>, vector<1x16xf32>,
        %get3A_653 = vector.shape_cast %get3A_652 : vector<1x16xf32> to vector<16xf32>
        %swap3A_654 = arith.index_cast %add3A_631 : i32 to index
        %swap3A_655 = arith.constant 32 : index
        %swap3A_656 = tpu.vector_load %arg8[%swap3A_654, %swap3A_655] {strides = array<i32>} : memref<128x64xf32, #tpu.memory_space<vmem>>, vector<1x16xf32>,
        %swap3A_657 = vector.shape_cast %swap3A_656 : vector<1x16xf32> to vector<16xf32>
        %swap3A_658 = vector.shape_cast %get3A_653 : vector<16xf32> to vector<1x16xf32>
        tpu.vector_store %arg8[%swap3A_654, %swap3A_655], %swap3A_658 {strides = array<i32>} : memref<128x64xf32, #tpu.memory_space<vmem>>, vector<1x16xf32>,
        %get3A_659 = arith.index_cast %add3A_631 : i32 to index
        %get3A_660 = arith.constant 48 : index
        %get3A_661 = tpu.vector_load %arg6[%get3A_659, %get3A_660] {strides = array<i32>} : memref<128x128xf32, #tpu.memory_space<vmem>>, vector<1x16xf32>,
        %get3A_662 = vector.shape_cast %get3A_661 : vector<1x16xf32> to vector<16xf32>
        %swap3A_663 = arith.index_cast %add3A_631 : i32 to index
        %swap3A_664 = arith.constant 48 : index
        %swap3A_665 = tpu.vector_load %arg8[%swap3A_663, %swap3A_664] {strides = array<i32>} : memref<128x64xf32, #tpu.memory_space<vmem>>, vector<1x16xf32>,
        %swap3A_666 = vector.shape_cast %swap3A_665 : vector<1x16xf32> to vector<16xf32>
        %swap3A_667 = vector.shape_cast %get3A_662 : vector<16xf32> to vector<1x16xf32>
        tpu.vector_store %arg8[%swap3A_663, %swap3A_664], %swap3A_667 {strides = array<i32>} : memref<128x64xf32, #tpu.memory_space<vmem>>, vector<1x16xf32>,
        %mul3A_668 = arith.constant 16 : i32
        %mul3A_669 = arith.muli %mul3A_668, %scan3A_109 : i32
        %add3A_670 = arith.constant 14 : i32
        %add3A_671 = arith.addi %mul3A_669, %add3A_670 : i32
        %get3A_672 = arith.index_cast %add3A_671 : i32 to index
        %get3A_673 = arith.constant 0 : index
        %get3A_674 = tpu.vector_load %arg6[%get3A_672, %get3A_673] {strides = array<i32>} : memref<128x128xf32, #tpu.memory_space<vmem>>, vector<1x16xf32>,
        %get3A_675 = vector.shape_cast %get3A_674 : vector<1x16xf32> to vector<16xf32>
        %swap3A_676 = arith.index_cast %add3A_671 : i32 to index
        %swap3A_677 = arith.constant 0 : index
        %swap3A_678 = tpu.vector_load %arg8[%swap3A_676, %swap3A_677] {strides = array<i32>} : memref<128x64xf32, #tpu.memory_space<vmem>>, vector<1x16xf32>,
        %swap3A_679 = vector.shape_cast %swap3A_678 : vector<1x16xf32> to vector<16xf32>
        %swap3A_680 = vector.shape_cast %get3A_675 : vector<16xf32> to vector<1x16xf32>
        tpu.vector_store %arg8[%swap3A_676, %swap3A_677], %swap3A_680 {strides = array<i32>} : memref<128x64xf32, #tpu.memory_space<vmem>>, vector<1x16xf32>,
        %get3A_681 = arith.index_cast %add3A_671 : i32 to index
        %get3A_682 = arith.constant 16 : index
        %get3A_683 = tpu.vector_load %arg6[%get3A_681, %get3A_682] {strides = array<i32>} : memref<128x128xf32, #tpu.memory_space<vmem>>, vector<1x16xf32>,
        %get3A_684 = vector.shape_cast %get3A_683 : vector<1x16xf32> to vector<16xf32>
        %swap3A_685 = arith.index_cast %add3A_671 : i32 to index
        %swap3A_686 = arith.constant 16 : index
        %swap3A_687 = tpu.vector_load %arg8[%swap3A_685, %swap3A_686] {strides = array<i32>} : memref<128x64xf32, #tpu.memory_space<vmem>>, vector<1x16xf32>,
        %swap3A_688 = vector.shape_cast %swap3A_687 : vector<1x16xf32> to vector<16xf32>
        %swap3A_689 = vector.shape_cast %get3A_684 : vector<16xf32> to vector<1x16xf32>
        tpu.vector_store %arg8[%swap3A_685, %swap3A_686], %swap3A_689 {strides = array<i32>} : memref<128x64xf32, #tpu.memory_space<vmem>>, vector<1x16xf32>,
        %get3A_690 = arith.index_cast %add3A_671 : i32 to index
        %get3A_691 = arith.constant 32 : index
        %get3A_692 = tpu.vector_load %arg6[%get3A_690, %get3A_691] {strides = array<i32>} : memref<128x128xf32, #tpu.memory_space<vmem>>, vector<1x16xf32>,
        %get3A_693 = vector.shape_cast %get3A_692 : vector<1x16xf32> to vector<16xf32>
        %swap3A_694 = arith.index_cast %add3A_671 : i32 to index
        %swap3A_695 = arith.constant 32 : index
        %swap3A_696 = tpu.vector_load %arg8[%swap3A_694, %swap3A_695] {strides = array<i32>} : memref<128x64xf32, #tpu.memory_space<vmem>>, vector<1x16xf32>,
        %swap3A_697 = vector.shape_cast %swap3A_696 : vector<1x16xf32> to vector<16xf32>
        %swap3A_698 = vector.shape_cast %get3A_693 : vector<16xf32> to vector<1x16xf32>
        tpu.vector_store %arg8[%swap3A_694, %swap3A_695], %swap3A_698 {strides = array<i32>} : memref<128x64xf32, #tpu.memory_space<vmem>>, vector<1x16xf32>,
        %get3A_699 = arith.index_cast %add3A_671 : i32 to index
        %get3A_700 = arith.constant 48 : index
        %get3A_701 = tpu.vector_load %arg6[%get3A_699, %get3A_700] {strides = array<i32>} : memref<128x128xf32, #tpu.memory_space<vmem>>, vector<1x16xf32>,
        %get3A_702 = vector.shape_cast %get3A_701 : vector<1x16xf32> to vector<16xf32>
        %swap3A_703 = arith.index_cast %add3A_671 : i32 to index
        %swap3A_704 = arith.constant 48 : index
        %swap3A_705 = tpu.vector_load %arg8[%swap3A_703, %swap3A_704] {strides = array<i32>} : memref<128x64xf32, #tpu.memory_space<vmem>>, vector<1x16xf32>,
        %swap3A_706 = vector.shape_cast %swap3A_705 : vector<1x16xf32> to vector<16xf32>
        %swap3A_707 = vector.shape_cast %get3A_702 : vector<16xf32> to vector<1x16xf32>
        tpu.vector_store %arg8[%swap3A_703, %swap3A_704], %swap3A_707 {strides = array<i32>} : memref<128x64xf32, #tpu.memory_space<vmem>>, vector<1x16xf32>,
        %mul3A_708 = arith.constant 16 : i32
        %mul3A_709 = arith.muli %mul3A_708, %scan3A_109 : i32
        %add3A_710 = arith.constant 15 : i32
        %add3A_711 = arith.addi %mul3A_709, %add3A_710 : i32
        %get3A_712 = arith.index_cast %add3A_711 : i32 to index
        %get3A_713 = arith.constant 0 : index
        %get3A_714 = tpu.vector_load %arg6[%get3A_712, %get3A_713] {strides = array<i32>} : memref<128x128xf32, #tpu.memory_space<vmem>>, vector<1x16xf32>,
        %get3A_715 = vector.shape_cast %get3A_714 : vector<1x16xf32> to vector<16xf32>
        %swap3A_716 = arith.index_cast %add3A_711 : i32 to index
        %swap3A_717 = arith.constant 0 : index
        %swap3A_718 = tpu.vector_load %arg8[%swap3A_716, %swap3A_717] {strides = array<i32>} : memref<128x64xf32, #tpu.memory_space<vmem>>, vector<1x16xf32>,
        %swap3A_719 = vector.shape_cast %swap3A_718 : vector<1x16xf32> to vector<16xf32>
        %swap3A_720 = vector.shape_cast %get3A_715 : vector<16xf32> to vector<1x16xf32>
        tpu.vector_store %arg8[%swap3A_716, %swap3A_717], %swap3A_720 {strides = array<i32>} : memref<128x64xf32, #tpu.memory_space<vmem>>, vector<1x16xf32>,
        %get3A_721 = arith.index_cast %add3A_711 : i32 to index
        %get3A_722 = arith.constant 16 : index
        %get3A_723 = tpu.vector_load %arg6[%get3A_721, %get3A_722] {strides = array<i32>} : memref<128x128xf32, #tpu.memory_space<vmem>>, vector<1x16xf32>,
        %get3A_724 = vector.shape_cast %get3A_723 : vector<1x16xf32> to vector<16xf32>
        %swap3A_725 = arith.index_cast %add3A_711 : i32 to index
        %swap3A_726 = arith.constant 16 : index
        %swap3A_727 = tpu.vector_load %arg8[%swap3A_725, %swap3A_726] {strides = array<i32>} : memref<128x64xf32, #tpu.memory_space<vmem>>, vector<1x16xf32>,
        %swap3A_728 = vector.shape_cast %swap3A_727 : vector<1x16xf32> to vector<16xf32>
        %swap3A_729 = vector.shape_cast %get3A_724 : vector<16xf32> to vector<1x16xf32>
        tpu.vector_store %arg8[%swap3A_725, %swap3A_726], %swap3A_729 {strides = array<i32>} : memref<128x64xf32, #tpu.memory_space<vmem>>, vector<1x16xf32>,
        %get3A_730 = arith.index_cast %add3A_711 : i32 to index
        %get3A_731 = arith.constant 32 : index
        %get3A_732 = tpu.vector_load %arg6[%get3A_730, %get3A_731] {strides = array<i32>} : memref<128x128xf32, #tpu.memory_space<vmem>>, vector<1x16xf32>,
        %get3A_733 = vector.shape_cast %get3A_732 : vector<1x16xf32> to vector<16xf32>
        %swap3A_734 = arith.index_cast %add3A_711 : i32 to index
        %swap3A_735 = arith.constant 32 : index
        %swap3A_736 = tpu.vector_load %arg8[%swap3A_734, %swap3A_735] {strides = array<i32>} : memref<128x64xf32, #tpu.memory_space<vmem>>, vector<1x16xf32>,
        %swap3A_737 = vector.shape_cast %swap3A_736 : vector<1x16xf32> to vector<16xf32>
        %swap3A_738 = vector.shape_cast %get3A_733 : vector<16xf32> to vector<1x16xf32>
        tpu.vector_store %arg8[%swap3A_734, %swap3A_735], %swap3A_738 {strides = array<i32>} : memref<128x64xf32, #tpu.memory_space<vmem>>, vector<1x16xf32>,
        %get3A_739 = arith.index_cast %add3A_711 : i32 to index
        %get3A_740 = arith.constant 48 : index
        %get3A_741 = tpu.vector_load %arg6[%get3A_739, %get3A_740] {strides = array<i32>} : memref<128x128xf32, #tpu.memory_space<vmem>>, vector<1x16xf32>,
        %get3A_742 = vector.shape_cast %get3A_741 : vector<1x16xf32> to vector<16xf32>
        %swap3A_743 = arith.index_cast %add3A_711 : i32 to index
        %swap3A_744 = arith.constant 48 : index
        %swap3A_745 = tpu.vector_load %arg8[%swap3A_743, %swap3A_744] {strides = array<i32>} : memref<128x64xf32, #tpu.memory_space<vmem>>, vector<1x16xf32>,
        %swap3A_746 = vector.shape_cast %swap3A_745 : vector<1x16xf32> to vector<16xf32>
        %swap3A_747 = vector.shape_cast %get3A_742 : vector<16xf32> to vector<1x16xf32>
        tpu.vector_store %arg8[%swap3A_743, %swap3A_744], %swap3A_747 {strides = array<i32>} : memref<128x64xf32, #tpu.memory_space<vmem>>, vector<1x16xf32>,
      }
      %scan3A_61 = arith.constant 8 : i32
      %mul3A_62 = arith.constant 128 : i32
      %mul3A_63 = arith.muli %mul3A_34, %mul3A_62 : i32
      %add3A_64 = arith.addi %mul3A_2, %mul3A_63 : i32
      %dma_start3A_65 = arith.constant 0 : i32
      %dma_start3A_66 = tpu.memref_slice %arg4[%add3A_64, %dma_start3A_65] : memref<819200x64xf32, #tpu.memory_space<hbm>> -> memref<128x64xf32, #tpu.memory_space<hbm>>
      %dma_start3A_67 = arith.constant 0 : i32
      %dma_start3A_68 = tpu.memref_slice %arg4[%add3A_64, %dma_start3A_67] : memref<819200x64xf32, #tpu.memory_space<hbm>> -> memref<128x64xf32, #tpu.memory_space<hbm>>
      tpu.enqueue_dma source(%arg8 : memref<128x64xf32, #tpu.memory_space<vmem>>) target(%dma_start3A_68 : memref<128x64xf32, #tpu.memory_space<hbm>>) target_semaphore(%arg12 : memref<!tpu.dma_semaphore, #tpu.memory_space<semaphore_mem>>)
      %add3A_69 = arith.constant 2 : i32
      %add3A_70 = arith.addi %mul3A_34, %add3A_69 : i32
      %min3A = arith.constant 199 : i32
      %min3A_71 = arith.minsi %add3A_70, %min3A : i32
      %mul3A_72 = arith.constant 128 : i32
      %mul3A_73 = arith.muli %min3A_71, %mul3A_72 : i32
      %add3A_74 = arith.constant 0 : i32
      %add3A_75 = arith.addi %mul3A_73, %add3A_74 : i32
      %dma_start3A_76 = arith.constant 0 : i32
      %dma_start3A_77 = arith.constant 0 : i32
      %dma_start3A_78 = tpu.memref_slice %arg6[%dma_start3A_76, %dma_start3A_77] : memref<128x128xf32, #tpu.memory_space<vmem>> -> memref<128x128xf32, #tpu.memory_space<vmem>>
      %dma_start3A_79 = tpu.memref_slice %arg5[%add3A_75] : memref<25600xi32, #tpu.memory_space<vmem>> -> memref<128xi32, #tpu.memory_space<vmem>>
      %dma_start3A_80 = arith.constant 0 : i32
      %dma_start3A_81 = arith.constant 0 : i32
      %dma_start3A_82 = tpu.memref_slice %arg3[%dma_start3A_80, %dma_start3A_81] : memref<1015808x128xf32, #tpu.memory_space<hbm>> -> memref<1015808x128xf32, #tpu.memory_space<hbm>>
      tpu.enqueue_indirect_dma source(%dma_start3A_82 : memref<1015808x128xf32, #tpu.memory_space<hbm>>) target(%dma_start3A_78 : memref<128x128xf32, #tpu.memory_space<vmem>>) offsets(%dma_start3A_79 : memref<128xi32, #tpu.memory_space<vmem>>) semaphore(%arg10 : memref<!tpu.dma_semaphore, #tpu.memory_space<semaphore_mem>>)
      %dma_wait3A_83 = arith.constant 0 : i32
      %dma_wait3A_84 = arith.constant 0 : i32
      %dma_wait3A_85 = tpu.memref_slice %arg3[%dma_wait3A_83, %dma_wait3A_84] : memref<1015808x128xf32, #tpu.memory_space<hbm>> -> memref<128x128xf32, #tpu.memory_space<hbm>>
      %dma_wait3A_86 = arith.constant 0 : i32
      %dma_wait3A_87 = arith.constant 0 : i32
      %dma_wait3A_88 = tpu.memref_slice %arg3[%dma_wait3A_86, %dma_wait3A_87] : memref<1015808x128xf32, #tpu.memory_space<hbm>> -> memref<128x128xf32, #tpu.memory_space<hbm>>
      tpu.wait_dma2 semaphore(%arg11 : memref<!tpu.dma_semaphore, #tpu.memory_space<semaphore_mem>>) src(%dma_wait3A_88 : memref<128x128xf32, #tpu.memory_space<hbm>>) dst(%arg7 : memref<128x128xf32, #tpu.memory_space<vmem>>)
      %gt3A_89 = arith.constant 0 : i32
      %gt3A_90 = arith.cmpi sgt, %scan3A_32, %gt3A_89 : i32
      %convert_element_type3A_91 = arith.extui %gt3A_90 : i1 to i32
      %cond3A_92 = arith.constant 0 : i32
      %cond3A_93 = arith.cmpi ne, %convert_element_type3A_91, %cond3A_92 : i32
      scf.if %cond3A_93 {
        %dma_wait3A_109 = arith.constant 0 : i32
        %dma_wait3A_110 = arith.constant 0 : i32
        %dma_wait3A_111 = tpu.memref_slice %arg4[%dma_wait3A_109, %dma_wait3A_110] : memref<819200x64xf32, #tpu.memory_space<hbm>> -> memref<128x64xf32, #tpu.memory_space<hbm>>
        %dma_wait3A_112 = arith.constant 0 : i32
        %dma_wait3A_113 = arith.constant 0 : i32
        %dma_wait3A_114 = tpu.memref_slice %arg4[%dma_wait3A_112, %dma_wait3A_113] : memref<819200x64xf32, #tpu.memory_space<hbm>> -> memref<128x64xf32, #tpu.memory_space<hbm>>
        tpu.wait_dma2 semaphore(%arg13 : memref<!tpu.dma_semaphore, #tpu.memory_space<semaphore_mem>>) src(%dma_wait3A_114 : memref<128x64xf32, #tpu.memory_space<hbm>>) dst(%arg9 : memref<128x64xf32, #tpu.memory_space<vmem>>)
      } else {
      }
      %scan3A_94 = arith.constant 0 : i32
      %scan3A_95 = arith.constant 0 : i32
      %scan3A_96 = arith.constant 8 : i32
      %scan3A_97 = arith.addi %scan3A_95, %scan3A_96 : i32
      %scan3A_98 = arith.constant 1 : i32
      scf.for %scan3A_109 = %scan3A_95 to %scan3A_97 step %scan3A_98  : i32 {
        %mul3A_110 = arith.constant 16 : i32
        %mul3A_111 = arith.muli %mul3A_110, %scan3A_109 : i32
        %add3A_112 = arith.constant 0 : i32
        %add3A_113 = arith.addi %mul3A_111, %add3A_112 : i32
        %get3A = arith.index_cast %add3A_113 : i32 to index
        %get3A_114 = arith.constant 0 : index
        %get3A_115 = tpu.vector_load %arg7[%get3A, %get3A_114] {strides = array<i32>} : memref<128x128xf32, #tpu.memory_space<vmem>>, vector<1x16xf32>,
        %get3A_116 = vector.shape_cast %get3A_115 : vector<1x16xf32> to vector<16xf32>
        %swap3A = arith.index_cast %add3A_113 : i32 to index
        %swap3A_117 = arith.constant 0 : index
        %swap3A_118 = tpu.vector_load %arg9[%swap3A, %swap3A_117] {strides = array<i32>} : memref<128x64xf32, #tpu.memory_space<vmem>>, vector<1x16xf32>,
        %swap3A_119 = vector.shape_cast %swap3A_118 : vector<1x16xf32> to vector<16xf32>
        %swap3A_120 = vector.shape_cast %get3A_116 : vector<16xf32> to vector<1x16xf32>
        tpu.vector_store %arg9[%swap3A, %swap3A_117], %swap3A_120 {strides = array<i32>} : memref<128x64xf32, #tpu.memory_space<vmem>>, vector<1x16xf32>,
        %get3A_121 = arith.index_cast %add3A_113 : i32 to index
        %get3A_122 = arith.constant 16 : index
        %get3A_123 = tpu.vector_load %arg7[%get3A_121, %get3A_122] {strides = array<i32>} : memref<128x128xf32, #tpu.memory_space<vmem>>, vector<1x16xf32>,
        %get3A_124 = vector.shape_cast %get3A_123 : vector<1x16xf32> to vector<16xf32>
        %swap3A_125 = arith.index_cast %add3A_113 : i32 to index
        %swap3A_126 = arith.constant 16 : index
        %swap3A_127 = tpu.vector_load %arg9[%swap3A_125, %swap3A_126] {strides = array<i32>} : memref<128x64xf32, #tpu.memory_space<vmem>>, vector<1x16xf32>,
        %swap3A_128 = vector.shape_cast %swap3A_127 : vector<1x16xf32> to vector<16xf32>
        %swap3A_129 = vector.shape_cast %get3A_124 : vector<16xf32> to vector<1x16xf32>
        tpu.vector_store %arg9[%swap3A_125, %swap3A_126], %swap3A_129 {strides = array<i32>} : memref<128x64xf32, #tpu.memory_space<vmem>>, vector<1x16xf32>,
        %get3A_130 = arith.index_cast %add3A_113 : i32 to index
        %get3A_131 = arith.constant 32 : index
        %get3A_132 = tpu.vector_load %arg7[%get3A_130, %get3A_131] {strides = array<i32>} : memref<128x128xf32, #tpu.memory_space<vmem>>, vector<1x16xf32>,
        %get3A_133 = vector.shape_cast %get3A_132 : vector<1x16xf32> to vector<16xf32>
        %swap3A_134 = arith.index_cast %add3A_113 : i32 to index
        %swap3A_135 = arith.constant 32 : index
        %swap3A_136 = tpu.vector_load %arg9[%swap3A_134, %swap3A_135] {strides = array<i32>} : memref<128x64xf32, #tpu.memory_space<vmem>>, vector<1x16xf32>,
        %swap3A_137 = vector.shape_cast %swap3A_136 : vector<1x16xf32> to vector<16xf32>
        %swap3A_138 = vector.shape_cast %get3A_133 : vector<16xf32> to vector<1x16xf32>
        tpu.vector_store %arg9[%swap3A_134, %swap3A_135], %swap3A_138 {strides = array<i32>} : memref<128x64xf32, #tpu.memory_space<vmem>>, vector<1x16xf32>,
        %get3A_139 = arith.index_cast %add3A_113 : i32 to index
        %get3A_140 = arith.constant 48 : index
        %get3A_141 = tpu.vector_load %arg7[%get3A_139, %get3A_140] {strides = array<i32>} : memref<128x128xf32, #tpu.memory_space<vmem>>, vector<1x16xf32>,
        %get3A_142 = vector.shape_cast %get3A_141 : vector<1x16xf32> to vector<16xf32>
        %swap3A_143 = arith.index_cast %add3A_113 : i32 to index
        %swap3A_144 = arith.constant 48 : index
        %swap3A_145 = tpu.vector_load %arg9[%swap3A_143, %swap3A_144] {strides = array<i32>} : memref<128x64xf32, #tpu.memory_space<vmem>>, vector<1x16xf32>,
        %swap3A_146 = vector.shape_cast %swap3A_145 : vector<1x16xf32> to vector<16xf32>
        %swap3A_147 = vector.shape_cast %get3A_142 : vector<16xf32> to vector<1x16xf32>
        tpu.vector_store %arg9[%swap3A_143, %swap3A_144], %swap3A_147 {strides = array<i32>} : memref<128x64xf32, #tpu.memory_space<vmem>>, vector<1x16xf32>,
        %mul3A_148 = arith.constant 16 : i32
        %mul3A_149 = arith.muli %mul3A_148, %scan3A_109 : i32
        %add3A_150 = arith.constant 1 : i32
        %add3A_151 = arith.addi %mul3A_149, %add3A_150 : i32
        %get3A_152 = arith.index_cast %add3A_151 : i32 to index
        %get3A_153 = arith.constant 0 : index
        %get3A_154 = tpu.vector_load %arg7[%get3A_152, %get3A_153] {strides = array<i32>} : memref<128x128xf32, #tpu.memory_space<vmem>>, vector<1x16xf32>,
        %get3A_155 = vector.shape_cast %get3A_154 : vector<1x16xf32> to vector<16xf32>
        %swap3A_156 = arith.index_cast %add3A_151 : i32 to index
        %swap3A_157 = arith.constant 0 : index
        %swap3A_158 = tpu.vector_load %arg9[%swap3A_156, %swap3A_157] {strides = array<i32>} : memref<128x64xf32, #tpu.memory_space<vmem>>, vector<1x16xf32>,
        %swap3A_159 = vector.shape_cast %swap3A_158 : vector<1x16xf32> to vector<16xf32>
        %swap3A_160 = vector.shape_cast %get3A_155 : vector<16xf32> to vector<1x16xf32>
        tpu.vector_store %arg9[%swap3A_156, %swap3A_157], %swap3A_160 {strides = array<i32>} : memref<128x64xf32, #tpu.memory_space<vmem>>, vector<1x16xf32>,
        %get3A_161 = arith.index_cast %add3A_151 : i32 to index
        %get3A_162 = arith.constant 16 : index
        %get3A_163 = tpu.vector_load %arg7[%get3A_161, %get3A_162] {strides = array<i32>} : memref<128x128xf32, #tpu.memory_space<vmem>>, vector<1x16xf32>,
        %get3A_164 = vector.shape_cast %get3A_163 : vector<1x16xf32> to vector<16xf32>
        %swap3A_165 = arith.index_cast %add3A_151 : i32 to index
        %swap3A_166 = arith.constant 16 : index
        %swap3A_167 = tpu.vector_load %arg9[%swap3A_165, %swap3A_166] {strides = array<i32>} : memref<128x64xf32, #tpu.memory_space<vmem>>, vector<1x16xf32>,
        %swap3A_168 = vector.shape_cast %swap3A_167 : vector<1x16xf32> to vector<16xf32>
        %swap3A_169 = vector.shape_cast %get3A_164 : vector<16xf32> to vector<1x16xf32>
        tpu.vector_store %arg9[%swap3A_165, %swap3A_166], %swap3A_169 {strides = array<i32>} : memref<128x64xf32, #tpu.memory_space<vmem>>, vector<1x16xf32>,
        %get3A_170 = arith.index_cast %add3A_151 : i32 to index
        %get3A_171 = arith.constant 32 : index
        %get3A_172 = tpu.vector_load %arg7[%get3A_170, %get3A_171] {strides = array<i32>} : memref<128x128xf32, #tpu.memory_space<vmem>>, vector<1x16xf32>,
        %get3A_173 = vector.shape_cast %get3A_172 : vector<1x16xf32> to vector<16xf32>
        %swap3A_174 = arith.index_cast %add3A_151 : i32 to index
        %swap3A_175 = arith.constant 32 : index
        %swap3A_176 = tpu.vector_load %arg9[%swap3A_174, %swap3A_175] {strides = array<i32>} : memref<128x64xf32, #tpu.memory_space<vmem>>, vector<1x16xf32>,
        %swap3A_177 = vector.shape_cast %swap3A_176 : vector<1x16xf32> to vector<16xf32>
        %swap3A_178 = vector.shape_cast %get3A_173 : vector<16xf32> to vector<1x16xf32>
        tpu.vector_store %arg9[%swap3A_174, %swap3A_175], %swap3A_178 {strides = array<i32>} : memref<128x64xf32, #tpu.memory_space<vmem>>, vector<1x16xf32>,
        %get3A_179 = arith.index_cast %add3A_151 : i32 to index
        %get3A_180 = arith.constant 48 : index
        %get3A_181 = tpu.vector_load %arg7[%get3A_179, %get3A_180] {strides = array<i32>} : memref<128x128xf32, #tpu.memory_space<vmem>>, vector<1x16xf32>,
        %get3A_182 = vector.shape_cast %get3A_181 : vector<1x16xf32> to vector<16xf32>
        %swap3A_183 = arith.index_cast %add3A_151 : i32 to index
        %swap3A_184 = arith.constant 48 : index
        %swap3A_185 = tpu.vector_load %arg9[%swap3A_183, %swap3A_184] {strides = array<i32>} : memref<128x64xf32, #tpu.memory_space<vmem>>, vector<1x16xf32>,
        %swap3A_186 = vector.shape_cast %swap3A_185 : vector<1x16xf32> to vector<16xf32>
        %swap3A_187 = vector.shape_cast %get3A_182 : vector<16xf32> to vector<1x16xf32>
        tpu.vector_store %arg9[%swap3A_183, %swap3A_184], %swap3A_187 {strides = array<i32>} : memref<128x64xf32, #tpu.memory_space<vmem>>, vector<1x16xf32>,
        %mul3A_188 = arith.constant 16 : i32
        %mul3A_189 = arith.muli %mul3A_188, %scan3A_109 : i32
        %add3A_190 = arith.constant 2 : i32
        %add3A_191 = arith.addi %mul3A_189, %add3A_190 : i32
        %get3A_192 = arith.index_cast %add3A_191 : i32 to index
        %get3A_193 = arith.constant 0 : index
        %get3A_194 = tpu.vector_load %arg7[%get3A_192, %get3A_193] {strides = array<i32>} : memref<128x128xf32, #tpu.memory_space<vmem>>, vector<1x16xf32>,
        %get3A_195 = vector.shape_cast %get3A_194 : vector<1x16xf32> to vector<16xf32>
        %swap3A_196 = arith.index_cast %add3A_191 : i32 to index
        %swap3A_197 = arith.constant 0 : index
        %swap3A_198 = tpu.vector_load %arg9[%swap3A_196, %swap3A_197] {strides = array<i32>} : memref<128x64xf32, #tpu.memory_space<vmem>>, vector<1x16xf32>,
        %swap3A_199 = vector.shape_cast %swap3A_198 : vector<1x16xf32> to vector<16xf32>
        %swap3A_200 = vector.shape_cast %get3A_195 : vector<16xf32> to vector<1x16xf32>
        tpu.vector_store %arg9[%swap3A_196, %swap3A_197], %swap3A_200 {strides = array<i32>} : memref<128x64xf32, #tpu.memory_space<vmem>>, vector<1x16xf32>,
        %get3A_201 = arith.index_cast %add3A_191 : i32 to index
        %get3A_202 = arith.constant 16 : index
        %get3A_203 = tpu.vector_load %arg7[%get3A_201, %get3A_202] {strides = array<i32>} : memref<128x128xf32, #tpu.memory_space<vmem>>, vector<1x16xf32>,
        %get3A_204 = vector.shape_cast %get3A_203 : vector<1x16xf32> to vector<16xf32>
        %swap3A_205 = arith.index_cast %add3A_191 : i32 to index
        %swap3A_206 = arith.constant 16 : index
        %swap3A_207 = tpu.vector_load %arg9[%swap3A_205, %swap3A_206] {strides = array<i32>} : memref<128x64xf32, #tpu.memory_space<vmem>>, vector<1x16xf32>,
        %swap3A_208 = vector.shape_cast %swap3A_207 : vector<1x16xf32> to vector<16xf32>
        %swap3A_209 = vector.shape_cast %get3A_204 : vector<16xf32> to vector<1x16xf32>
        tpu.vector_store %arg9[%swap3A_205, %swap3A_206], %swap3A_209 {strides = array<i32>} : memref<128x64xf32, #tpu.memory_space<vmem>>, vector<1x16xf32>,
        %get3A_210 = arith.index_cast %add3A_191 : i32 to index
        %get3A_211 = arith.constant 32 : index
        %get3A_212 = tpu.vector_load %arg7[%get3A_210, %get3A_211] {strides = array<i32>} : memref<128x128xf32, #tpu.memory_space<vmem>>, vector<1x16xf32>,
        %get3A_213 = vector.shape_cast %get3A_212 : vector<1x16xf32> to vector<16xf32>
        %swap3A_214 = arith.index_cast %add3A_191 : i32 to index
        %swap3A_215 = arith.constant 32 : index
        %swap3A_216 = tpu.vector_load %arg9[%swap3A_214, %swap3A_215] {strides = array<i32>} : memref<128x64xf32, #tpu.memory_space<vmem>>, vector<1x16xf32>,
        %swap3A_217 = vector.shape_cast %swap3A_216 : vector<1x16xf32> to vector<16xf32>
        %swap3A_218 = vector.shape_cast %get3A_213 : vector<16xf32> to vector<1x16xf32>
        tpu.vector_store %arg9[%swap3A_214, %swap3A_215], %swap3A_218 {strides = array<i32>} : memref<128x64xf32, #tpu.memory_space<vmem>>, vector<1x16xf32>,
        %get3A_219 = arith.index_cast %add3A_191 : i32 to index
        %get3A_220 = arith.constant 48 : index
        %get3A_221 = tpu.vector_load %arg7[%get3A_219, %get3A_220] {strides = array<i32>} : memref<128x128xf32, #tpu.memory_space<vmem>>, vector<1x16xf32>,
        %get3A_222 = vector.shape_cast %get3A_221 : vector<1x16xf32> to vector<16xf32>
        %swap3A_223 = arith.index_cast %add3A_191 : i32 to index
        %swap3A_224 = arith.constant 48 : index
        %swap3A_225 = tpu.vector_load %arg9[%swap3A_223, %swap3A_224] {strides = array<i32>} : memref<128x64xf32, #tpu.memory_space<vmem>>, vector<1x16xf32>,
        %swap3A_226 = vector.shape_cast %swap3A_225 : vector<1x16xf32> to vector<16xf32>
        %swap3A_227 = vector.shape_cast %get3A_222 : vector<16xf32> to vector<1x16xf32>
        tpu.vector_store %arg9[%swap3A_223, %swap3A_224], %swap3A_227 {strides = array<i32>} : memref<128x64xf32, #tpu.memory_space<vmem>>, vector<1x16xf32>,
        %mul3A_228 = arith.constant 16 : i32
        %mul3A_229 = arith.muli %mul3A_228, %scan3A_109 : i32
        %add3A_230 = arith.constant 3 : i32
        %add3A_231 = arith.addi %mul3A_229, %add3A_230 : i32
        %get3A_232 = arith.index_cast %add3A_231 : i32 to index
        %get3A_233 = arith.constant 0 : index
        %get3A_234 = tpu.vector_load %arg7[%get3A_232, %get3A_233] {strides = array<i32>} : memref<128x128xf32, #tpu.memory_space<vmem>>, vector<1x16xf32>,
        %get3A_235 = vector.shape_cast %get3A_234 : vector<1x16xf32> to vector<16xf32>
        %swap3A_236 = arith.index_cast %add3A_231 : i32 to index
        %swap3A_237 = arith.constant 0 : index
        %swap3A_238 = tpu.vector_load %arg9[%swap3A_236, %swap3A_237] {strides = array<i32>} : memref<128x64xf32, #tpu.memory_space<vmem>>, vector<1x16xf32>,
        %swap3A_239 = vector.shape_cast %swap3A_238 : vector<1x16xf32> to vector<16xf32>
        %swap3A_240 = vector.shape_cast %get3A_235 : vector<16xf32> to vector<1x16xf32>
        tpu.vector_store %arg9[%swap3A_236, %swap3A_237], %swap3A_240 {strides = array<i32>} : memref<128x64xf32, #tpu.memory_space<vmem>>, vector<1x16xf32>,
        %get3A_241 = arith.index_cast %add3A_231 : i32 to index
        %get3A_242 = arith.constant 16 : index
        %get3A_243 = tpu.vector_load %arg7[%get3A_241, %get3A_242] {strides = array<i32>} : memref<128x128xf32, #tpu.memory_space<vmem>>, vector<1x16xf32>,
        %get3A_244 = vector.shape_cast %get3A_243 : vector<1x16xf32> to vector<16xf32>
        %swap3A_245 = arith.index_cast %add3A_231 : i32 to index
        %swap3A_246 = arith.constant 16 : index
        %swap3A_247 = tpu.vector_load %arg9[%swap3A_245, %swap3A_246] {strides = array<i32>} : memref<128x64xf32, #tpu.memory_space<vmem>>, vector<1x16xf32>,
        %swap3A_248 = vector.shape_cast %swap3A_247 : vector<1x16xf32> to vector<16xf32>
        %swap3A_249 = vector.shape_cast %get3A_244 : vector<16xf32> to vector<1x16xf32>
        tpu.vector_store %arg9[%swap3A_245, %swap3A_246], %swap3A_249 {strides = array<i32>} : memref<128x64xf32, #tpu.memory_space<vmem>>, vector<1x16xf32>,
        %get3A_250 = arith.index_cast %add3A_231 : i32 to index
        %get3A_251 = arith.constant 32 : index
        %get3A_252 = tpu.vector_load %arg7[%get3A_250, %get3A_251] {strides = array<i32>} : memref<128x128xf32, #tpu.memory_space<vmem>>, vector<1x16xf32>,
        %get3A_253 = vector.shape_cast %get3A_252 : vector<1x16xf32> to vector<16xf32>
        %swap3A_254 = arith.index_cast %add3A_231 : i32 to index
        %swap3A_255 = arith.constant 32 : index
        %swap3A_256 = tpu.vector_load %arg9[%swap3A_254, %swap3A_255] {strides = array<i32>} : memref<128x64xf32, #tpu.memory_space<vmem>>, vector<1x16xf32>,
        %swap3A_257 = vector.shape_cast %swap3A_256 : vector<1x16xf32> to vector<16xf32>
        %swap3A_258 = vector.shape_cast %get3A_253 : vector<16xf32> to vector<1x16xf32>
        tpu.vector_store %arg9[%swap3A_254, %swap3A_255], %swap3A_258 {strides = array<i32>} : memref<128x64xf32, #tpu.memory_space<vmem>>, vector<1x16xf32>,
        %get3A_259 = arith.index_cast %add3A_231 : i32 to index
        %get3A_260 = arith.constant 48 : index
        %get3A_261 = tpu.vector_load %arg7[%get3A_259, %get3A_260] {strides = array<i32>} : memref<128x128xf32, #tpu.memory_space<vmem>>, vector<1x16xf32>,
        %get3A_262 = vector.shape_cast %get3A_261 : vector<1x16xf32> to vector<16xf32>
        %swap3A_263 = arith.index_cast %add3A_231 : i32 to index
        %swap3A_264 = arith.constant 48 : index
        %swap3A_265 = tpu.vector_load %arg9[%swap3A_263, %swap3A_264] {strides = array<i32>} : memref<128x64xf32, #tpu.memory_space<vmem>>, vector<1x16xf32>,
        %swap3A_266 = vector.shape_cast %swap3A_265 : vector<1x16xf32> to vector<16xf32>
        %swap3A_267 = vector.shape_cast %get3A_262 : vector<16xf32> to vector<1x16xf32>
        tpu.vector_store %arg9[%swap3A_263, %swap3A_264], %swap3A_267 {strides = array<i32>} : memref<128x64xf32, #tpu.memory_space<vmem>>, vector<1x16xf32>,
        %mul3A_268 = arith.constant 16 : i32
        %mul3A_269 = arith.muli %mul3A_268, %scan3A_109 : i32
        %add3A_270 = arith.constant 4 : i32
        %add3A_271 = arith.addi %mul3A_269, %add3A_270 : i32
        %get3A_272 = arith.index_cast %add3A_271 : i32 to index
        %get3A_273 = arith.constant 0 : index
        %get3A_274 = tpu.vector_load %arg7[%get3A_272, %get3A_273] {strides = array<i32>} : memref<128x128xf32, #tpu.memory_space<vmem>>, vector<1x16xf32>,
        %get3A_275 = vector.shape_cast %get3A_274 : vector<1x16xf32> to vector<16xf32>
        %swap3A_276 = arith.index_cast %add3A_271 : i32 to index
        %swap3A_277 = arith.constant 0 : index
        %swap3A_278 = tpu.vector_load %arg9[%swap3A_276, %swap3A_277] {strides = array<i32>} : memref<128x64xf32, #tpu.memory_space<vmem>>, vector<1x16xf32>,
        %swap3A_279 = vector.shape_cast %swap3A_278 : vector<1x16xf32> to vector<16xf32>
        %swap3A_280 = vector.shape_cast %get3A_275 : vector<16xf32> to vector<1x16xf32>
        tpu.vector_store %arg9[%swap3A_276, %swap3A_277], %swap3A_280 {strides = array<i32>} : memref<128x64xf32, #tpu.memory_space<vmem>>, vector<1x16xf32>,
        %get3A_281 = arith.index_cast %add3A_271 : i32 to index
        %get3A_282 = arith.constant 16 : index
        %get3A_283 = tpu.vector_load %arg7[%get3A_281, %get3A_282] {strides = array<i32>} : memref<128x128xf32, #tpu.memory_space<vmem>>, vector<1x16xf32>,
        %get3A_284 = vector.shape_cast %get3A_283 : vector<1x16xf32> to vector<16xf32>
        %swap3A_285 = arith.index_cast %add3A_271 : i32 to index
        %swap3A_286 = arith.constant 16 : index
        %swap3A_287 = tpu.vector_load %arg9[%swap3A_285, %swap3A_286] {strides = array<i32>} : memref<128x64xf32, #tpu.memory_space<vmem>>, vector<1x16xf32>,
        %swap3A_288 = vector.shape_cast %swap3A_287 : vector<1x16xf32> to vector<16xf32>
        %swap3A_289 = vector.shape_cast %get3A_284 : vector<16xf32> to vector<1x16xf32>
        tpu.vector_store %arg9[%swap3A_285, %swap3A_286], %swap3A_289 {strides = array<i32>} : memref<128x64xf32, #tpu.memory_space<vmem>>, vector<1x16xf32>,
        %get3A_290 = arith.index_cast %add3A_271 : i32 to index
        %get3A_291 = arith.constant 32 : index
        %get3A_292 = tpu.vector_load %arg7[%get3A_290, %get3A_291] {strides = array<i32>} : memref<128x128xf32, #tpu.memory_space<vmem>>, vector<1x16xf32>,
        %get3A_293 = vector.shape_cast %get3A_292 : vector<1x16xf32> to vector<16xf32>
        %swap3A_294 = arith.index_cast %add3A_271 : i32 to index
        %swap3A_295 = arith.constant 32 : index
        %swap3A_296 = tpu.vector_load %arg9[%swap3A_294, %swap3A_295] {strides = array<i32>} : memref<128x64xf32, #tpu.memory_space<vmem>>, vector<1x16xf32>,
        %swap3A_297 = vector.shape_cast %swap3A_296 : vector<1x16xf32> to vector<16xf32>
        %swap3A_298 = vector.shape_cast %get3A_293 : vector<16xf32> to vector<1x16xf32>
        tpu.vector_store %arg9[%swap3A_294, %swap3A_295], %swap3A_298 {strides = array<i32>} : memref<128x64xf32, #tpu.memory_space<vmem>>, vector<1x16xf32>,
        %get3A_299 = arith.index_cast %add3A_271 : i32 to index
        %get3A_300 = arith.constant 48 : index
        %get3A_301 = tpu.vector_load %arg7[%get3A_299, %get3A_300] {strides = array<i32>} : memref<128x128xf32, #tpu.memory_space<vmem>>, vector<1x16xf32>,
        %get3A_302 = vector.shape_cast %get3A_301 : vector<1x16xf32> to vector<16xf32>
        %swap3A_303 = arith.index_cast %add3A_271 : i32 to index
        %swap3A_304 = arith.constant 48 : index
        %swap3A_305 = tpu.vector_load %arg9[%swap3A_303, %swap3A_304] {strides = array<i32>} : memref<128x64xf32, #tpu.memory_space<vmem>>, vector<1x16xf32>,
        %swap3A_306 = vector.shape_cast %swap3A_305 : vector<1x16xf32> to vector<16xf32>
        %swap3A_307 = vector.shape_cast %get3A_302 : vector<16xf32> to vector<1x16xf32>
        tpu.vector_store %arg9[%swap3A_303, %swap3A_304], %swap3A_307 {strides = array<i32>} : memref<128x64xf32, #tpu.memory_space<vmem>>, vector<1x16xf32>,
        %mul3A_308 = arith.constant 16 : i32
        %mul3A_309 = arith.muli %mul3A_308, %scan3A_109 : i32
        %add3A_310 = arith.constant 5 : i32
        %add3A_311 = arith.addi %mul3A_309, %add3A_310 : i32
        %get3A_312 = arith.index_cast %add3A_311 : i32 to index
        %get3A_313 = arith.constant 0 : index
        %get3A_314 = tpu.vector_load %arg7[%get3A_312, %get3A_313] {strides = array<i32>} : memref<128x128xf32, #tpu.memory_space<vmem>>, vector<1x16xf32>,
        %get3A_315 = vector.shape_cast %get3A_314 : vector<1x16xf32> to vector<16xf32>
        %swap3A_316 = arith.index_cast %add3A_311 : i32 to index
        %swap3A_317 = arith.constant 0 : index
        %swap3A_318 = tpu.vector_load %arg9[%swap3A_316, %swap3A_317] {strides = array<i32>} : memref<128x64xf32, #tpu.memory_space<vmem>>, vector<1x16xf32>,
        %swap3A_319 = vector.shape_cast %swap3A_318 : vector<1x16xf32> to vector<16xf32>
        %swap3A_320 = vector.shape_cast %get3A_315 : vector<16xf32> to vector<1x16xf32>
        tpu.vector_store %arg9[%swap3A_316, %swap3A_317], %swap3A_320 {strides = array<i32>} : memref<128x64xf32, #tpu.memory_space<vmem>>, vector<1x16xf32>,
        %get3A_321 = arith.index_cast %add3A_311 : i32 to index
        %get3A_322 = arith.constant 16 : index
        %get3A_323 = tpu.vector_load %arg7[%get3A_321, %get3A_322] {strides = array<i32>} : memref<128x128xf32, #tpu.memory_space<vmem>>, vector<1x16xf32>,
        %get3A_324 = vector.shape_cast %get3A_323 : vector<1x16xf32> to vector<16xf32>
        %swap3A_325 = arith.index_cast %add3A_311 : i32 to index
        %swap3A_326 = arith.constant 16 : index
        %swap3A_327 = tpu.vector_load %arg9[%swap3A_325, %swap3A_326] {strides = array<i32>} : memref<128x64xf32, #tpu.memory_space<vmem>>, vector<1x16xf32>,
        %swap3A_328 = vector.shape_cast %swap3A_327 : vector<1x16xf32> to vector<16xf32>
        %swap3A_329 = vector.shape_cast %get3A_324 : vector<16xf32> to vector<1x16xf32>
        tpu.vector_store %arg9[%swap3A_325, %swap3A_326], %swap3A_329 {strides = array<i32>} : memref<128x64xf32, #tpu.memory_space<vmem>>, vector<1x16xf32>,
        %get3A_330 = arith.index_cast %add3A_311 : i32 to index
        %get3A_331 = arith.constant 32 : index
        %get3A_332 = tpu.vector_load %arg7[%get3A_330, %get3A_331] {strides = array<i32>} : memref<128x128xf32, #tpu.memory_space<vmem>>, vector<1x16xf32>,
        %get3A_333 = vector.shape_cast %get3A_332 : vector<1x16xf32> to vector<16xf32>
        %swap3A_334 = arith.index_cast %add3A_311 : i32 to index
        %swap3A_335 = arith.constant 32 : index
        %swap3A_336 = tpu.vector_load %arg9[%swap3A_334, %swap3A_335] {strides = array<i32>} : memref<128x64xf32, #tpu.memory_space<vmem>>, vector<1x16xf32>,
        %swap3A_337 = vector.shape_cast %swap3A_336 : vector<1x16xf32> to vector<16xf32>
        %swap3A_338 = vector.shape_cast %get3A_333 : vector<16xf32> to vector<1x16xf32>
        tpu.vector_store %arg9[%swap3A_334, %swap3A_335], %swap3A_338 {strides = array<i32>} : memref<128x64xf32, #tpu.memory_space<vmem>>, vector<1x16xf32>,
        %get3A_339 = arith.index_cast %add3A_311 : i32 to index
        %get3A_340 = arith.constant 48 : index
        %get3A_341 = tpu.vector_load %arg7[%get3A_339, %get3A_340] {strides = array<i32>} : memref<128x128xf32, #tpu.memory_space<vmem>>, vector<1x16xf32>,
        %get3A_342 = vector.shape_cast %get3A_341 : vector<1x16xf32> to vector<16xf32>
        %swap3A_343 = arith.index_cast %add3A_311 : i32 to index
        %swap3A_344 = arith.constant 48 : index
        %swap3A_345 = tpu.vector_load %arg9[%swap3A_343, %swap3A_344] {strides = array<i32>} : memref<128x64xf32, #tpu.memory_space<vmem>>, vector<1x16xf32>,
        %swap3A_346 = vector.shape_cast %swap3A_345 : vector<1x16xf32> to vector<16xf32>
        %swap3A_347 = vector.shape_cast %get3A_342 : vector<16xf32> to vector<1x16xf32>
        tpu.vector_store %arg9[%swap3A_343, %swap3A_344], %swap3A_347 {strides = array<i32>} : memref<128x64xf32, #tpu.memory_space<vmem>>, vector<1x16xf32>,
        %mul3A_348 = arith.constant 16 : i32
        %mul3A_349 = arith.muli %mul3A_348, %scan3A_109 : i32
        %add3A_350 = arith.constant 6 : i32
        %add3A_351 = arith.addi %mul3A_349, %add3A_350 : i32
        %get3A_352 = arith.index_cast %add3A_351 : i32 to index
        %get3A_353 = arith.constant 0 : index
        %get3A_354 = tpu.vector_load %arg7[%get3A_352, %get3A_353] {strides = array<i32>} : memref<128x128xf32, #tpu.memory_space<vmem>>, vector<1x16xf32>,
        %get3A_355 = vector.shape_cast %get3A_354 : vector<1x16xf32> to vector<16xf32>
        %swap3A_356 = arith.index_cast %add3A_351 : i32 to index
        %swap3A_357 = arith.constant 0 : index
        %swap3A_358 = tpu.vector_load %arg9[%swap3A_356, %swap3A_357] {strides = array<i32>} : memref<128x64xf32, #tpu.memory_space<vmem>>, vector<1x16xf32>,
        %swap3A_359 = vector.shape_cast %swap3A_358 : vector<1x16xf32> to vector<16xf32>
        %swap3A_360 = vector.shape_cast %get3A_355 : vector<16xf32> to vector<1x16xf32>
        tpu.vector_store %arg9[%swap3A_356, %swap3A_357], %swap3A_360 {strides = array<i32>} : memref<128x64xf32, #tpu.memory_space<vmem>>, vector<1x16xf32>,
        %get3A_361 = arith.index_cast %add3A_351 : i32 to index
        %get3A_362 = arith.constant 16 : index
        %get3A_363 = tpu.vector_load %arg7[%get3A_361, %get3A_362] {strides = array<i32>} : memref<128x128xf32, #tpu.memory_space<vmem>>, vector<1x16xf32>,
        %get3A_364 = vector.shape_cast %get3A_363 : vector<1x16xf32> to vector<16xf32>
        %swap3A_365 = arith.index_cast %add3A_351 : i32 to index
        %swap3A_366 = arith.constant 16 : index
        %swap3A_367 = tpu.vector_load %arg9[%swap3A_365, %swap3A_366] {strides = array<i32>} : memref<128x64xf32, #tpu.memory_space<vmem>>, vector<1x16xf32>,
        %swap3A_368 = vector.shape_cast %swap3A_367 : vector<1x16xf32> to vector<16xf32>
        %swap3A_369 = vector.shape_cast %get3A_364 : vector<16xf32> to vector<1x16xf32>
        tpu.vector_store %arg9[%swap3A_365, %swap3A_366], %swap3A_369 {strides = array<i32>} : memref<128x64xf32, #tpu.memory_space<vmem>>, vector<1x16xf32>,
        %get3A_370 = arith.index_cast %add3A_351 : i32 to index
        %get3A_371 = arith.constant 32 : index
        %get3A_372 = tpu.vector_load %arg7[%get3A_370, %get3A_371] {strides = array<i32>} : memref<128x128xf32, #tpu.memory_space<vmem>>, vector<1x16xf32>,
        %get3A_373 = vector.shape_cast %get3A_372 : vector<1x16xf32> to vector<16xf32>
        %swap3A_374 = arith.index_cast %add3A_351 : i32 to index
        %swap3A_375 = arith.constant 32 : index
        %swap3A_376 = tpu.vector_load %arg9[%swap3A_374, %swap3A_375] {strides = array<i32>} : memref<128x64xf32, #tpu.memory_space<vmem>>, vector<1x16xf32>,
        %swap3A_377 = vector.shape_cast %swap3A_376 : vector<1x16xf32> to vector<16xf32>
        %swap3A_378 = vector.shape_cast %get3A_373 : vector<16xf32> to vector<1x16xf32>
        tpu.vector_store %arg9[%swap3A_374, %swap3A_375], %swap3A_378 {strides = array<i32>} : memref<128x64xf32, #tpu.memory_space<vmem>>, vector<1x16xf32>,
        %get3A_379 = arith.index_cast %add3A_351 : i32 to index
        %get3A_380 = arith.constant 48 : index
        %get3A_381 = tpu.vector_load %arg7[%get3A_379, %get3A_380] {strides = array<i32>} : memref<128x128xf32, #tpu.memory_space<vmem>>, vector<1x16xf32>,
        %get3A_382 = vector.shape_cast %get3A_381 : vector<1x16xf32> to vector<16xf32>
        %swap3A_383 = arith.index_cast %add3A_351 : i32 to index
        %swap3A_384 = arith.constant 48 : index
        %swap3A_385 = tpu.vector_load %arg9[%swap3A_383, %swap3A_384] {strides = array<i32>} : memref<128x64xf32, #tpu.memory_space<vmem>>, vector<1x16xf32>,
        %swap3A_386 = vector.shape_cast %swap3A_385 : vector<1x16xf32> to vector<16xf32>
        %swap3A_387 = vector.shape_cast %get3A_382 : vector<16xf32> to vector<1x16xf32>
        tpu.vector_store %arg9[%swap3A_383, %swap3A_384], %swap3A_387 {strides = array<i32>} : memref<128x64xf32, #tpu.memory_space<vmem>>, vector<1x16xf32>,
        %mul3A_388 = arith.constant 16 : i32
        %mul3A_389 = arith.muli %mul3A_388, %scan3A_109 : i32
        %add3A_390 = arith.constant 7 : i32
        %add3A_391 = arith.addi %mul3A_389, %add3A_390 : i32
        %get3A_392 = arith.index_cast %add3A_391 : i32 to index
        %get3A_393 = arith.constant 0 : index
        %get3A_394 = tpu.vector_load %arg7[%get3A_392, %get3A_393] {strides = array<i32>} : memref<128x128xf32, #tpu.memory_space<vmem>>, vector<1x16xf32>,
        %get3A_395 = vector.shape_cast %get3A_394 : vector<1x16xf32> to vector<16xf32>
        %swap3A_396 = arith.index_cast %add3A_391 : i32 to index
        %swap3A_397 = arith.constant 0 : index
        %swap3A_398 = tpu.vector_load %arg9[%swap3A_396, %swap3A_397] {strides = array<i32>} : memref<128x64xf32, #tpu.memory_space<vmem>>, vector<1x16xf32>,
        %swap3A_399 = vector.shape_cast %swap3A_398 : vector<1x16xf32> to vector<16xf32>
        %swap3A_400 = vector.shape_cast %get3A_395 : vector<16xf32> to vector<1x16xf32>
        tpu.vector_store %arg9[%swap3A_396, %swap3A_397], %swap3A_400 {strides = array<i32>} : memref<128x64xf32, #tpu.memory_space<vmem>>, vector<1x16xf32>,
        %get3A_401 = arith.index_cast %add3A_391 : i32 to index
        %get3A_402 = arith.constant 16 : index
        %get3A_403 = tpu.vector_load %arg7[%get3A_401, %get3A_402] {strides = array<i32>} : memref<128x128xf32, #tpu.memory_space<vmem>>, vector<1x16xf32>,
        %get3A_404 = vector.shape_cast %get3A_403 : vector<1x16xf32> to vector<16xf32>
        %swap3A_405 = arith.index_cast %add3A_391 : i32 to index
        %swap3A_406 = arith.constant 16 : index
        %swap3A_407 = tpu.vector_load %arg9[%swap3A_405, %swap3A_406] {strides = array<i32>} : memref<128x64xf32, #tpu.memory_space<vmem>>, vector<1x16xf32>,
        %swap3A_408 = vector.shape_cast %swap3A_407 : vector<1x16xf32> to vector<16xf32>
        %swap3A_409 = vector.shape_cast %get3A_404 : vector<16xf32> to vector<1x16xf32>
        tpu.vector_store %arg9[%swap3A_405, %swap3A_406], %swap3A_409 {strides = array<i32>} : memref<128x64xf32, #tpu.memory_space<vmem>>, vector<1x16xf32>,
        %get3A_410 = arith.index_cast %add3A_391 : i32 to index
        %get3A_411 = arith.constant 32 : index
        %get3A_412 = tpu.vector_load %arg7[%get3A_410, %get3A_411] {strides = array<i32>} : memref<128x128xf32, #tpu.memory_space<vmem>>, vector<1x16xf32>,
        %get3A_413 = vector.shape_cast %get3A_412 : vector<1x16xf32> to vector<16xf32>
        %swap3A_414 = arith.index_cast %add3A_391 : i32 to index
        %swap3A_415 = arith.constant 32 : index
        %swap3A_416 = tpu.vector_load %arg9[%swap3A_414, %swap3A_415] {strides = array<i32>} : memref<128x64xf32, #tpu.memory_space<vmem>>, vector<1x16xf32>,
        %swap3A_417 = vector.shape_cast %swap3A_416 : vector<1x16xf32> to vector<16xf32>
        %swap3A_418 = vector.shape_cast %get3A_413 : vector<16xf32> to vector<1x16xf32>
        tpu.vector_store %arg9[%swap3A_414, %swap3A_415], %swap3A_418 {strides = array<i32>} : memref<128x64xf32, #tpu.memory_space<vmem>>, vector<1x16xf32>,
        %get3A_419 = arith.index_cast %add3A_391 : i32 to index
        %get3A_420 = arith.constant 48 : index
        %get3A_421 = tpu.vector_load %arg7[%get3A_419, %get3A_420] {strides = array<i32>} : memref<128x128xf32, #tpu.memory_space<vmem>>, vector<1x16xf32>,
        %get3A_422 = vector.shape_cast %get3A_421 : vector<1x16xf32> to vector<16xf32>
        %swap3A_423 = arith.index_cast %add3A_391 : i32 to index
        %swap3A_424 = arith.constant 48 : index
        %swap3A_425 = tpu.vector_load %arg9[%swap3A_423, %swap3A_424] {strides = array<i32>} : memref<128x64xf32, #tpu.memory_space<vmem>>, vector<1x16xf32>,
        %swap3A_426 = vector.shape_cast %swap3A_425 : vector<1x16xf32> to vector<16xf32>
        %swap3A_427 = vector.shape_cast %get3A_422 : vector<16xf32> to vector<1x16xf32>
        tpu.vector_store %arg9[%swap3A_423, %swap3A_424], %swap3A_427 {strides = array<i32>} : memref<128x64xf32, #tpu.memory_space<vmem>>, vector<1x16xf32>,
        %mul3A_428 = arith.constant 16 : i32
        %mul3A_429 = arith.muli %mul3A_428, %scan3A_109 : i32
        %add3A_430 = arith.constant 8 : i32
        %add3A_431 = arith.addi %mul3A_429, %add3A_430 : i32
        %get3A_432 = arith.index_cast %add3A_431 : i32 to index
        %get3A_433 = arith.constant 0 : index
        %get3A_434 = tpu.vector_load %arg7[%get3A_432, %get3A_433] {strides = array<i32>} : memref<128x128xf32, #tpu.memory_space<vmem>>, vector<1x16xf32>,
        %get3A_435 = vector.shape_cast %get3A_434 : vector<1x16xf32> to vector<16xf32>
        %swap3A_436 = arith.index_cast %add3A_431 : i32 to index
        %swap3A_437 = arith.constant 0 : index
        %swap3A_438 = tpu.vector_load %arg9[%swap3A_436, %swap3A_437] {strides = array<i32>} : memref<128x64xf32, #tpu.memory_space<vmem>>, vector<1x16xf32>,
        %swap3A_439 = vector.shape_cast %swap3A_438 : vector<1x16xf32> to vector<16xf32>
        %swap3A_440 = vector.shape_cast %get3A_435 : vector<16xf32> to vector<1x16xf32>
        tpu.vector_store %arg9[%swap3A_436, %swap3A_437], %swap3A_440 {strides = array<i32>} : memref<128x64xf32, #tpu.memory_space<vmem>>, vector<1x16xf32>,
        %get3A_441 = arith.index_cast %add3A_431 : i32 to index
        %get3A_442 = arith.constant 16 : index
        %get3A_443 = tpu.vector_load %arg7[%get3A_441, %get3A_442] {strides = array<i32>} : memref<128x128xf32, #tpu.memory_space<vmem>>, vector<1x16xf32>,
        %get3A_444 = vector.shape_cast %get3A_443 : vector<1x16xf32> to vector<16xf32>
        %swap3A_445 = arith.index_cast %add3A_431 : i32 to index
        %swap3A_446 = arith.constant 16 : index
        %swap3A_447 = tpu.vector_load %arg9[%swap3A_445, %swap3A_446] {strides = array<i32>} : memref<128x64xf32, #tpu.memory_space<vmem>>, vector<1x16xf32>,
        %swap3A_448 = vector.shape_cast %swap3A_447 : vector<1x16xf32> to vector<16xf32>
        %swap3A_449 = vector.shape_cast %get3A_444 : vector<16xf32> to vector<1x16xf32>
        tpu.vector_store %arg9[%swap3A_445, %swap3A_446], %swap3A_449 {strides = array<i32>} : memref<128x64xf32, #tpu.memory_space<vmem>>, vector<1x16xf32>,
        %get3A_450 = arith.index_cast %add3A_431 : i32 to index
        %get3A_451 = arith.constant 32 : index
        %get3A_452 = tpu.vector_load %arg7[%get3A_450, %get3A_451] {strides = array<i32>} : memref<128x128xf32, #tpu.memory_space<vmem>>, vector<1x16xf32>,
        %get3A_453 = vector.shape_cast %get3A_452 : vector<1x16xf32> to vector<16xf32>
        %swap3A_454 = arith.index_cast %add3A_431 : i32 to index
        %swap3A_455 = arith.constant 32 : index
        %swap3A_456 = tpu.vector_load %arg9[%swap3A_454, %swap3A_455] {strides = array<i32>} : memref<128x64xf32, #tpu.memory_space<vmem>>, vector<1x16xf32>,
        %swap3A_457 = vector.shape_cast %swap3A_456 : vector<1x16xf32> to vector<16xf32>
        %swap3A_458 = vector.shape_cast %get3A_453 : vector<16xf32> to vector<1x16xf32>
        tpu.vector_store %arg9[%swap3A_454, %swap3A_455], %swap3A_458 {strides = array<i32>} : memref<128x64xf32, #tpu.memory_space<vmem>>, vector<1x16xf32>,
        %get3A_459 = arith.index_cast %add3A_431 : i32 to index
        %get3A_460 = arith.constant 48 : index
        %get3A_461 = tpu.vector_load %arg7[%get3A_459, %get3A_460] {strides = array<i32>} : memref<128x128xf32, #tpu.memory_space<vmem>>, vector<1x16xf32>,
        %get3A_462 = vector.shape_cast %get3A_461 : vector<1x16xf32> to vector<16xf32>
        %swap3A_463 = arith.index_cast %add3A_431 : i32 to index
        %swap3A_464 = arith.constant 48 : index
        %swap3A_465 = tpu.vector_load %arg9[%swap3A_463, %swap3A_464] {strides = array<i32>} : memref<128x64xf32, #tpu.memory_space<vmem>>, vector<1x16xf32>,
        %swap3A_466 = vector.shape_cast %swap3A_465 : vector<1x16xf32> to vector<16xf32>
        %swap3A_467 = vector.shape_cast %get3A_462 : vector<16xf32> to vector<1x16xf32>
        tpu.vector_store %arg9[%swap3A_463, %swap3A_464], %swap3A_467 {strides = array<i32>} : memref<128x64xf32, #tpu.memory_space<vmem>>, vector<1x16xf32>,
        %mul3A_468 = arith.constant 16 : i32
        %mul3A_469 = arith.muli %mul3A_468, %scan3A_109 : i32
        %add3A_470 = arith.constant 9 : i32
        %add3A_471 = arith.addi %mul3A_469, %add3A_470 : i32
        %get3A_472 = arith.index_cast %add3A_471 : i32 to index
        %get3A_473 = arith.constant 0 : index
        %get3A_474 = tpu.vector_load %arg7[%get3A_472, %get3A_473] {strides = array<i32>} : memref<128x128xf32, #tpu.memory_space<vmem>>, vector<1x16xf32>,
        %get3A_475 = vector.shape_cast %get3A_474 : vector<1x16xf32> to vector<16xf32>
        %swap3A_476 = arith.index_cast %add3A_471 : i32 to index
        %swap3A_477 = arith.constant 0 : index
        %swap3A_478 = tpu.vector_load %arg9[%swap3A_476, %swap3A_477] {strides = array<i32>} : memref<128x64xf32, #tpu.memory_space<vmem>>, vector<1x16xf32>,
        %swap3A_479 = vector.shape_cast %swap3A_478 : vector<1x16xf32> to vector<16xf32>
        %swap3A_480 = vector.shape_cast %get3A_475 : vector<16xf32> to vector<1x16xf32>
        tpu.vector_store %arg9[%swap3A_476, %swap3A_477], %swap3A_480 {strides = array<i32>} : memref<128x64xf32, #tpu.memory_space<vmem>>, vector<1x16xf32>,
        %get3A_481 = arith.index_cast %add3A_471 : i32 to index
        %get3A_482 = arith.constant 16 : index
        %get3A_483 = tpu.vector_load %arg7[%get3A_481, %get3A_482] {strides = array<i32>} : memref<128x128xf32, #tpu.memory_space<vmem>>, vector<1x16xf32>,
        %get3A_484 = vector.shape_cast %get3A_483 : vector<1x16xf32> to vector<16xf32>
        %swap3A_485 = arith.index_cast %add3A_471 : i32 to index
        %swap3A_486 = arith.constant 16 : index
        %swap3A_487 = tpu.vector_load %arg9[%swap3A_485, %swap3A_486] {strides = array<i32>} : memref<128x64xf32, #tpu.memory_space<vmem>>, vector<1x16xf32>,
        %swap3A_488 = vector.shape_cast %swap3A_487 : vector<1x16xf32> to vector<16xf32>
        %swap3A_489 = vector.shape_cast %get3A_484 : vector<16xf32> to vector<1x16xf32>
        tpu.vector_store %arg9[%swap3A_485, %swap3A_486], %swap3A_489 {strides = array<i32>} : memref<128x64xf32, #tpu.memory_space<vmem>>, vector<1x16xf32>,
        %get3A_490 = arith.index_cast %add3A_471 : i32 to index
        %get3A_491 = arith.constant 32 : index
        %get3A_492 = tpu.vector_load %arg7[%get3A_490, %get3A_491] {strides = array<i32>} : memref<128x128xf32, #tpu.memory_space<vmem>>, vector<1x16xf32>,
        %get3A_493 = vector.shape_cast %get3A_492 : vector<1x16xf32> to vector<16xf32>
        %swap3A_494 = arith.index_cast %add3A_471 : i32 to index
        %swap3A_495 = arith.constant 32 : index
        %swap3A_496 = tpu.vector_load %arg9[%swap3A_494, %swap3A_495] {strides = array<i32>} : memref<128x64xf32, #tpu.memory_space<vmem>>, vector<1x16xf32>,
        %swap3A_497 = vector.shape_cast %swap3A_496 : vector<1x16xf32> to vector<16xf32>
        %swap3A_498 = vector.shape_cast %get3A_493 : vector<16xf32> to vector<1x16xf32>
        tpu.vector_store %arg9[%swap3A_494, %swap3A_495], %swap3A_498 {strides = array<i32>} : memref<128x64xf32, #tpu.memory_space<vmem>>, vector<1x16xf32>,
        %get3A_499 = arith.index_cast %add3A_471 : i32 to index
        %get3A_500 = arith.constant 48 : index
        %get3A_501 = tpu.vector_load %arg7[%get3A_499, %get3A_500] {strides = array<i32>} : memref<128x128xf32, #tpu.memory_space<vmem>>, vector<1x16xf32>,
        %get3A_502 = vector.shape_cast %get3A_501 : vector<1x16xf32> to vector<16xf32>
        %swap3A_503 = arith.index_cast %add3A_471 : i32 to index
        %swap3A_504 = arith.constant 48 : index
        %swap3A_505 = tpu.vector_load %arg9[%swap3A_503, %swap3A_504] {strides = array<i32>} : memref<128x64xf32, #tpu.memory_space<vmem>>, vector<1x16xf32>,
        %swap3A_506 = vector.shape_cast %swap3A_505 : vector<1x16xf32> to vector<16xf32>
        %swap3A_507 = vector.shape_cast %get3A_502 : vector<16xf32> to vector<1x16xf32>
        tpu.vector_store %arg9[%swap3A_503, %swap3A_504], %swap3A_507 {strides = array<i32>} : memref<128x64xf32, #tpu.memory_space<vmem>>, vector<1x16xf32>,
        %mul3A_508 = arith.constant 16 : i32
        %mul3A_509 = arith.muli %mul3A_508, %scan3A_109 : i32
        %add3A_510 = arith.constant 10 : i32
        %add3A_511 = arith.addi %mul3A_509, %add3A_510 : i32
        %get3A_512 = arith.index_cast %add3A_511 : i32 to index
        %get3A_513 = arith.constant 0 : index
        %get3A_514 = tpu.vector_load %arg7[%get3A_512, %get3A_513] {strides = array<i32>} : memref<128x128xf32, #tpu.memory_space<vmem>>, vector<1x16xf32>,
        %get3A_515 = vector.shape_cast %get3A_514 : vector<1x16xf32> to vector<16xf32>
        %swap3A_516 = arith.index_cast %add3A_511 : i32 to index
        %swap3A_517 = arith.constant 0 : index
        %swap3A_518 = tpu.vector_load %arg9[%swap3A_516, %swap3A_517] {strides = array<i32>} : memref<128x64xf32, #tpu.memory_space<vmem>>, vector<1x16xf32>,
        %swap3A_519 = vector.shape_cast %swap3A_518 : vector<1x16xf32> to vector<16xf32>
        %swap3A_520 = vector.shape_cast %get3A_515 : vector<16xf32> to vector<1x16xf32>
        tpu.vector_store %arg9[%swap3A_516, %swap3A_517], %swap3A_520 {strides = array<i32>} : memref<128x64xf32, #tpu.memory_space<vmem>>, vector<1x16xf32>,
        %get3A_521 = arith.index_cast %add3A_511 : i32 to index
        %get3A_522 = arith.constant 16 : index
        %get3A_523 = tpu.vector_load %arg7[%get3A_521, %get3A_522] {strides = array<i32>} : memref<128x128xf32, #tpu.memory_space<vmem>>, vector<1x16xf32>,
        %get3A_524 = vector.shape_cast %get3A_523 : vector<1x16xf32> to vector<16xf32>
        %swap3A_525 = arith.index_cast %add3A_511 : i32 to index
        %swap3A_526 = arith.constant 16 : index
        %swap3A_527 = tpu.vector_load %arg9[%swap3A_525, %swap3A_526] {strides = array<i32>} : memref<128x64xf32, #tpu.memory_space<vmem>>, vector<1x16xf32>,
        %swap3A_528 = vector.shape_cast %swap3A_527 : vector<1x16xf32> to vector<16xf32>
        %swap3A_529 = vector.shape_cast %get3A_524 : vector<16xf32> to vector<1x16xf32>
        tpu.vector_store %arg9[%swap3A_525, %swap3A_526], %swap3A_529 {strides = array<i32>} : memref<128x64xf32, #tpu.memory_space<vmem>>, vector<1x16xf32>,
        %get3A_530 = arith.index_cast %add3A_511 : i32 to index
        %get3A_531 = arith.constant 32 : index
        %get3A_532 = tpu.vector_load %arg7[%get3A_530, %get3A_531] {strides = array<i32>} : memref<128x128xf32, #tpu.memory_space<vmem>>, vector<1x16xf32>,
        %get3A_533 = vector.shape_cast %get3A_532 : vector<1x16xf32> to vector<16xf32>
        %swap3A_534 = arith.index_cast %add3A_511 : i32 to index
        %swap3A_535 = arith.constant 32 : index
        %swap3A_536 = tpu.vector_load %arg9[%swap3A_534, %swap3A_535] {strides = array<i32>} : memref<128x64xf32, #tpu.memory_space<vmem>>, vector<1x16xf32>,
        %swap3A_537 = vector.shape_cast %swap3A_536 : vector<1x16xf32> to vector<16xf32>
        %swap3A_538 = vector.shape_cast %get3A_533 : vector<16xf32> to vector<1x16xf32>
        tpu.vector_store %arg9[%swap3A_534, %swap3A_535], %swap3A_538 {strides = array<i32>} : memref<128x64xf32, #tpu.memory_space<vmem>>, vector<1x16xf32>,
        %get3A_539 = arith.index_cast %add3A_511 : i32 to index
        %get3A_540 = arith.constant 48 : index
        %get3A_541 = tpu.vector_load %arg7[%get3A_539, %get3A_540] {strides = array<i32>} : memref<128x128xf32, #tpu.memory_space<vmem>>, vector<1x16xf32>,
        %get3A_542 = vector.shape_cast %get3A_541 : vector<1x16xf32> to vector<16xf32>
        %swap3A_543 = arith.index_cast %add3A_511 : i32 to index
        %swap3A_544 = arith.constant 48 : index
        %swap3A_545 = tpu.vector_load %arg9[%swap3A_543, %swap3A_544] {strides = array<i32>} : memref<128x64xf32, #tpu.memory_space<vmem>>, vector<1x16xf32>,
        %swap3A_546 = vector.shape_cast %swap3A_545 : vector<1x16xf32> to vector<16xf32>
        %swap3A_547 = vector.shape_cast %get3A_542 : vector<16xf32> to vector<1x16xf32>
        tpu.vector_store %arg9[%swap3A_543, %swap3A_544], %swap3A_547 {strides = array<i32>} : memref<128x64xf32, #tpu.memory_space<vmem>>, vector<1x16xf32>,
        %mul3A_548 = arith.constant 16 : i32
        %mul3A_549 = arith.muli %mul3A_548, %scan3A_109 : i32
        %add3A_550 = arith.constant 11 : i32
        %add3A_551 = arith.addi %mul3A_549, %add3A_550 : i32
        %get3A_552 = arith.index_cast %add3A_551 : i32 to index
        %get3A_553 = arith.constant 0 : index
        %get3A_554 = tpu.vector_load %arg7[%get3A_552, %get3A_553] {strides = array<i32>} : memref<128x128xf32, #tpu.memory_space<vmem>>, vector<1x16xf32>,
        %get3A_555 = vector.shape_cast %get3A_554 : vector<1x16xf32> to vector<16xf32>
        %swap3A_556 = arith.index_cast %add3A_551 : i32 to index
        %swap3A_557 = arith.constant 0 : index
        %swap3A_558 = tpu.vector_load %arg9[%swap3A_556, %swap3A_557] {strides = array<i32>} : memref<128x64xf32, #tpu.memory_space<vmem>>, vector<1x16xf32>,
        %swap3A_559 = vector.shape_cast %swap3A_558 : vector<1x16xf32> to vector<16xf32>
        %swap3A_560 = vector.shape_cast %get3A_555 : vector<16xf32> to vector<1x16xf32>
        tpu.vector_store %arg9[%swap3A_556, %swap3A_557], %swap3A_560 {strides = array<i32>} : memref<128x64xf32, #tpu.memory_space<vmem>>, vector<1x16xf32>,
        %get3A_561 = arith.index_cast %add3A_551 : i32 to index
        %get3A_562 = arith.constant 16 : index
        %get3A_563 = tpu.vector_load %arg7[%get3A_561, %get3A_562] {strides = array<i32>} : memref<128x128xf32, #tpu.memory_space<vmem>>, vector<1x16xf32>,
        %get3A_564 = vector.shape_cast %get3A_563 : vector<1x16xf32> to vector<16xf32>
        %swap3A_565 = arith.index_cast %add3A_551 : i32 to index
        %swap3A_566 = arith.constant 16 : index
        %swap3A_567 = tpu.vector_load %arg9[%swap3A_565, %swap3A_566] {strides = array<i32>} : memref<128x64xf32, #tpu.memory_space<vmem>>, vector<1x16xf32>,
        %swap3A_568 = vector.shape_cast %swap3A_567 : vector<1x16xf32> to vector<16xf32>
        %swap3A_569 = vector.shape_cast %get3A_564 : vector<16xf32> to vector<1x16xf32>
        tpu.vector_store %arg9[%swap3A_565, %swap3A_566], %swap3A_569 {strides = array<i32>} : memref<128x64xf32, #tpu.memory_space<vmem>>, vector<1x16xf32>,
        %get3A_570 = arith.index_cast %add3A_551 : i32 to index
        %get3A_571 = arith.constant 32 : index
        %get3A_572 = tpu.vector_load %arg7[%get3A_570, %get3A_571] {strides = array<i32>} : memref<128x128xf32, #tpu.memory_space<vmem>>, vector<1x16xf32>,
        %get3A_573 = vector.shape_cast %get3A_572 : vector<1x16xf32> to vector<16xf32>
        %swap3A_574 = arith.index_cast %add3A_551 : i32 to index
        %swap3A_575 = arith.constant 32 : index
        %swap3A_576 = tpu.vector_load %arg9[%swap3A_574, %swap3A_575] {strides = array<i32>} : memref<128x64xf32, #tpu.memory_space<vmem>>, vector<1x16xf32>,
        %swap3A_577 = vector.shape_cast %swap3A_576 : vector<1x16xf32> to vector<16xf32>
        %swap3A_578 = vector.shape_cast %get3A_573 : vector<16xf32> to vector<1x16xf32>
        tpu.vector_store %arg9[%swap3A_574, %swap3A_575], %swap3A_578 {strides = array<i32>} : memref<128x64xf32, #tpu.memory_space<vmem>>, vector<1x16xf32>,
        %get3A_579 = arith.index_cast %add3A_551 : i32 to index
        %get3A_580 = arith.constant 48 : index
        %get3A_581 = tpu.vector_load %arg7[%get3A_579, %get3A_580] {strides = array<i32>} : memref<128x128xf32, #tpu.memory_space<vmem>>, vector<1x16xf32>,
        %get3A_582 = vector.shape_cast %get3A_581 : vector<1x16xf32> to vector<16xf32>
        %swap3A_583 = arith.index_cast %add3A_551 : i32 to index
        %swap3A_584 = arith.constant 48 : index
        %swap3A_585 = tpu.vector_load %arg9[%swap3A_583, %swap3A_584] {strides = array<i32>} : memref<128x64xf32, #tpu.memory_space<vmem>>, vector<1x16xf32>,
        %swap3A_586 = vector.shape_cast %swap3A_585 : vector<1x16xf32> to vector<16xf32>
        %swap3A_587 = vector.shape_cast %get3A_582 : vector<16xf32> to vector<1x16xf32>
        tpu.vector_store %arg9[%swap3A_583, %swap3A_584], %swap3A_587 {strides = array<i32>} : memref<128x64xf32, #tpu.memory_space<vmem>>, vector<1x16xf32>,
        %mul3A_588 = arith.constant 16 : i32
        %mul3A_589 = arith.muli %mul3A_588, %scan3A_109 : i32
        %add3A_590 = arith.constant 12 : i32
        %add3A_591 = arith.addi %mul3A_589, %add3A_590 : i32
        %get3A_592 = arith.index_cast %add3A_591 : i32 to index
        %get3A_593 = arith.constant 0 : index
        %get3A_594 = tpu.vector_load %arg7[%get3A_592, %get3A_593] {strides = array<i32>} : memref<128x128xf32, #tpu.memory_space<vmem>>, vector<1x16xf32>,
        %get3A_595 = vector.shape_cast %get3A_594 : vector<1x16xf32> to vector<16xf32>
        %swap3A_596 = arith.index_cast %add3A_591 : i32 to index
        %swap3A_597 = arith.constant 0 : index
        %swap3A_598 = tpu.vector_load %arg9[%swap3A_596, %swap3A_597] {strides = array<i32>} : memref<128x64xf32, #tpu.memory_space<vmem>>, vector<1x16xf32>,
        %swap3A_599 = vector.shape_cast %swap3A_598 : vector<1x16xf32> to vector<16xf32>
        %swap3A_600 = vector.shape_cast %get3A_595 : vector<16xf32> to vector<1x16xf32>
        tpu.vector_store %arg9[%swap3A_596, %swap3A_597], %swap3A_600 {strides = array<i32>} : memref<128x64xf32, #tpu.memory_space<vmem>>, vector<1x16xf32>,
        %get3A_601 = arith.index_cast %add3A_591 : i32 to index
        %get3A_602 = arith.constant 16 : index
        %get3A_603 = tpu.vector_load %arg7[%get3A_601, %get3A_602] {strides = array<i32>} : memref<128x128xf32, #tpu.memory_space<vmem>>, vector<1x16xf32>,
        %get3A_604 = vector.shape_cast %get3A_603 : vector<1x16xf32> to vector<16xf32>
        %swap3A_605 = arith.index_cast %add3A_591 : i32 to index
        %swap3A_606 = arith.constant 16 : index
        %swap3A_607 = tpu.vector_load %arg9[%swap3A_605, %swap3A_606] {strides = array<i32>} : memref<128x64xf32, #tpu.memory_space<vmem>>, vector<1x16xf32>,
        %swap3A_608 = vector.shape_cast %swap3A_607 : vector<1x16xf32> to vector<16xf32>
        %swap3A_609 = vector.shape_cast %get3A_604 : vector<16xf32> to vector<1x16xf32>
        tpu.vector_store %arg9[%swap3A_605, %swap3A_606], %swap3A_609 {strides = array<i32>} : memref<128x64xf32, #tpu.memory_space<vmem>>, vector<1x16xf32>,
        %get3A_610 = arith.index_cast %add3A_591 : i32 to index
        %get3A_611 = arith.constant 32 : index
        %get3A_612 = tpu.vector_load %arg7[%get3A_610, %get3A_611] {strides = array<i32>} : memref<128x128xf32, #tpu.memory_space<vmem>>, vector<1x16xf32>,
        %get3A_613 = vector.shape_cast %get3A_612 : vector<1x16xf32> to vector<16xf32>
        %swap3A_614 = arith.index_cast %add3A_591 : i32 to index
        %swap3A_615 = arith.constant 32 : index
        %swap3A_616 = tpu.vector_load %arg9[%swap3A_614, %swap3A_615] {strides = array<i32>} : memref<128x64xf32, #tpu.memory_space<vmem>>, vector<1x16xf32>,
        %swap3A_617 = vector.shape_cast %swap3A_616 : vector<1x16xf32> to vector<16xf32>
        %swap3A_618 = vector.shape_cast %get3A_613 : vector<16xf32> to vector<1x16xf32>
        tpu.vector_store %arg9[%swap3A_614, %swap3A_615], %swap3A_618 {strides = array<i32>} : memref<128x64xf32, #tpu.memory_space<vmem>>, vector<1x16xf32>,
        %get3A_619 = arith.index_cast %add3A_591 : i32 to index
        %get3A_620 = arith.constant 48 : index
        %get3A_621 = tpu.vector_load %arg7[%get3A_619, %get3A_620] {strides = array<i32>} : memref<128x128xf32, #tpu.memory_space<vmem>>, vector<1x16xf32>,
        %get3A_622 = vector.shape_cast %get3A_621 : vector<1x16xf32> to vector<16xf32>
        %swap3A_623 = arith.index_cast %add3A_591 : i32 to index
        %swap3A_624 = arith.constant 48 : index
        %swap3A_625 = tpu.vector_load %arg9[%swap3A_623, %swap3A_624] {strides = array<i32>} : memref<128x64xf32, #tpu.memory_space<vmem>>, vector<1x16xf32>,
        %swap3A_626 = vector.shape_cast %swap3A_625 : vector<1x16xf32> to vector<16xf32>
        %swap3A_627 = vector.shape_cast %get3A_622 : vector<16xf32> to vector<1x16xf32>
        tpu.vector_store %arg9[%swap3A_623, %swap3A_624], %swap3A_627 {strides = array<i32>} : memref<128x64xf32, #tpu.memory_space<vmem>>, vector<1x16xf32>,
        %mul3A_628 = arith.constant 16 : i32
        %mul3A_629 = arith.muli %mul3A_628, %scan3A_109 : i32
        %add3A_630 = arith.constant 13 : i32
        %add3A_631 = arith.addi %mul3A_629, %add3A_630 : i32
        %get3A_632 = arith.index_cast %add3A_631 : i32 to index
        %get3A_633 = arith.constant 0 : index
        %get3A_634 = tpu.vector_load %arg7[%get3A_632, %get3A_633] {strides = array<i32>} : memref<128x128xf32, #tpu.memory_space<vmem>>, vector<1x16xf32>,
        %get3A_635 = vector.shape_cast %get3A_634 : vector<1x16xf32> to vector<16xf32>
        %swap3A_636 = arith.index_cast %add3A_631 : i32 to index
        %swap3A_637 = arith.constant 0 : index
        %swap3A_638 = tpu.vector_load %arg9[%swap3A_636, %swap3A_637] {strides = array<i32>} : memref<128x64xf32, #tpu.memory_space<vmem>>, vector<1x16xf32>,
        %swap3A_639 = vector.shape_cast %swap3A_638 : vector<1x16xf32> to vector<16xf32>
        %swap3A_640 = vector.shape_cast %get3A_635 : vector<16xf32> to vector<1x16xf32>
        tpu.vector_store %arg9[%swap3A_636, %swap3A_637], %swap3A_640 {strides = array<i32>} : memref<128x64xf32, #tpu.memory_space<vmem>>, vector<1x16xf32>,
        %get3A_641 = arith.index_cast %add3A_631 : i32 to index
        %get3A_642 = arith.constant 16 : index
        %get3A_643 = tpu.vector_load %arg7[%get3A_641, %get3A_642] {strides = array<i32>} : memref<128x128xf32, #tpu.memory_space<vmem>>, vector<1x16xf32>,
        %get3A_644 = vector.shape_cast %get3A_643 : vector<1x16xf32> to vector<16xf32>
        %swap3A_645 = arith.index_cast %add3A_631 : i32 to index
        %swap3A_646 = arith.constant 16 : index
        %swap3A_647 = tpu.vector_load %arg9[%swap3A_645, %swap3A_646] {strides = array<i32>} : memref<128x64xf32, #tpu.memory_space<vmem>>, vector<1x16xf32>,
        %swap3A_648 = vector.shape_cast %swap3A_647 : vector<1x16xf32> to vector<16xf32>
        %swap3A_649 = vector.shape_cast %get3A_644 : vector<16xf32> to vector<1x16xf32>
        tpu.vector_store %arg9[%swap3A_645, %swap3A_646], %swap3A_649 {strides = array<i32>} : memref<128x64xf32, #tpu.memory_space<vmem>>, vector<1x16xf32>,
        %get3A_650 = arith.index_cast %add3A_631 : i32 to index
        %get3A_651 = arith.constant 32 : index
        %get3A_652 = tpu.vector_load %arg7[%get3A_650, %get3A_651] {strides = array<i32>} : memref<128x128xf32, #tpu.memory_space<vmem>>, vector<1x16xf32>,
        %get3A_653 = vector.shape_cast %get3A_652 : vector<1x16xf32> to vector<16xf32>
        %swap3A_654 = arith.index_cast %add3A_631 : i32 to index
        %swap3A_655 = arith.constant 32 : index
        %swap3A_656 = tpu.vector_load %arg9[%swap3A_654, %swap3A_655] {strides = array<i32>} : memref<128x64xf32, #tpu.memory_space<vmem>>, vector<1x16xf32>,
        %swap3A_657 = vector.shape_cast %swap3A_656 : vector<1x16xf32> to vector<16xf32>
        %swap3A_658 = vector.shape_cast %get3A_653 : vector<16xf32> to vector<1x16xf32>
        tpu.vector_store %arg9[%swap3A_654, %swap3A_655], %swap3A_658 {strides = array<i32>} : memref<128x64xf32, #tpu.memory_space<vmem>>, vector<1x16xf32>,
        %get3A_659 = arith.index_cast %add3A_631 : i32 to index
        %get3A_660 = arith.constant 48 : index
        %get3A_661 = tpu.vector_load %arg7[%get3A_659, %get3A_660] {strides = array<i32>} : memref<128x128xf32, #tpu.memory_space<vmem>>, vector<1x16xf32>,
        %get3A_662 = vector.shape_cast %get3A_661 : vector<1x16xf32> to vector<16xf32>
        %swap3A_663 = arith.index_cast %add3A_631 : i32 to index
        %swap3A_664 = arith.constant 48 : index
        %swap3A_665 = tpu.vector_load %arg9[%swap3A_663, %swap3A_664] {strides = array<i32>} : memref<128x64xf32, #tpu.memory_space<vmem>>, vector<1x16xf32>,
        %swap3A_666 = vector.shape_cast %swap3A_665 : vector<1x16xf32> to vector<16xf32>
        %swap3A_667 = vector.shape_cast %get3A_662 : vector<16xf32> to vector<1x16xf32>
        tpu.vector_store %arg9[%swap3A_663, %swap3A_664], %swap3A_667 {strides = array<i32>} : memref<128x64xf32, #tpu.memory_space<vmem>>, vector<1x16xf32>,
        %mul3A_668 = arith.constant 16 : i32
        %mul3A_669 = arith.muli %mul3A_668, %scan3A_109 : i32
        %add3A_670 = arith.constant 14 : i32
        %add3A_671 = arith.addi %mul3A_669, %add3A_670 : i32
        %get3A_672 = arith.index_cast %add3A_671 : i32 to index
        %get3A_673 = arith.constant 0 : index
        %get3A_674 = tpu.vector_load %arg7[%get3A_672, %get3A_673] {strides = array<i32>} : memref<128x128xf32, #tpu.memory_space<vmem>>, vector<1x16xf32>,
        %get3A_675 = vector.shape_cast %get3A_674 : vector<1x16xf32> to vector<16xf32>
        %swap3A_676 = arith.index_cast %add3A_671 : i32 to index
        %swap3A_677 = arith.constant 0 : index
        %swap3A_678 = tpu.vector_load %arg9[%swap3A_676, %swap3A_677] {strides = array<i32>} : memref<128x64xf32, #tpu.memory_space<vmem>>, vector<1x16xf32>,
        %swap3A_679 = vector.shape_cast %swap3A_678 : vector<1x16xf32> to vector<16xf32>
        %swap3A_680 = vector.shape_cast %get3A_675 : vector<16xf32> to vector<1x16xf32>
        tpu.vector_store %arg9[%swap3A_676, %swap3A_677], %swap3A_680 {strides = array<i32>} : memref<128x64xf32, #tpu.memory_space<vmem>>, vector<1x16xf32>,
        %get3A_681 = arith.index_cast %add3A_671 : i32 to index
        %get3A_682 = arith.constant 16 : index
        %get3A_683 = tpu.vector_load %arg7[%get3A_681, %get3A_682] {strides = array<i32>} : memref<128x128xf32, #tpu.memory_space<vmem>>, vector<1x16xf32>,
        %get3A_684 = vector.shape_cast %get3A_683 : vector<1x16xf32> to vector<16xf32>
        %swap3A_685 = arith.index_cast %add3A_671 : i32 to index
        %swap3A_686 = arith.constant 16 : index
        %swap3A_687 = tpu.vector_load %arg9[%swap3A_685, %swap3A_686] {strides = array<i32>} : memref<128x64xf32, #tpu.memory_space<vmem>>, vector<1x16xf32>,
        %swap3A_688 = vector.shape_cast %swap3A_687 : vector<1x16xf32> to vector<16xf32>
        %swap3A_689 = vector.shape_cast %get3A_684 : vector<16xf32> to vector<1x16xf32>
        tpu.vector_store %arg9[%swap3A_685, %swap3A_686], %swap3A_689 {strides = array<i32>} : memref<128x64xf32, #tpu.memory_space<vmem>>, vector<1x16xf32>,
        %get3A_690 = arith.index_cast %add3A_671 : i32 to index
        %get3A_691 = arith.constant 32 : index
        %get3A_692 = tpu.vector_load %arg7[%get3A_690, %get3A_691] {strides = array<i32>} : memref<128x128xf32, #tpu.memory_space<vmem>>, vector<1x16xf32>,
        %get3A_693 = vector.shape_cast %get3A_692 : vector<1x16xf32> to vector<16xf32>
        %swap3A_694 = arith.index_cast %add3A_671 : i32 to index
        %swap3A_695 = arith.constant 32 : index
        %swap3A_696 = tpu.vector_load %arg9[%swap3A_694, %swap3A_695] {strides = array<i32>} : memref<128x64xf32, #tpu.memory_space<vmem>>, vector<1x16xf32>,
        %swap3A_697 = vector.shape_cast %swap3A_696 : vector<1x16xf32> to vector<16xf32>
        %swap3A_698 = vector.shape_cast %get3A_693 : vector<16xf32> to vector<1x16xf32>
        tpu.vector_store %arg9[%swap3A_694, %swap3A_695], %swap3A_698 {strides = array<i32>} : memref<128x64xf32, #tpu.memory_space<vmem>>, vector<1x16xf32>,
        %get3A_699 = arith.index_cast %add3A_671 : i32 to index
        %get3A_700 = arith.constant 48 : index
        %get3A_701 = tpu.vector_load %arg7[%get3A_699, %get3A_700] {strides = array<i32>} : memref<128x128xf32, #tpu.memory_space<vmem>>, vector<1x16xf32>,
        %get3A_702 = vector.shape_cast %get3A_701 : vector<1x16xf32> to vector<16xf32>
        %swap3A_703 = arith.index_cast %add3A_671 : i32 to index
        %swap3A_704 = arith.constant 48 : index
        %swap3A_705 = tpu.vector_load %arg9[%swap3A_703, %swap3A_704] {strides = array<i32>} : memref<128x64xf32, #tpu.memory_space<vmem>>, vector<1x16xf32>,
        %swap3A_706 = vector.shape_cast %swap3A_705 : vector<1x16xf32> to vector<16xf32>
        %swap3A_707 = vector.shape_cast %get3A_702 : vector<16xf32> to vector<1x16xf32>
        tpu.vector_store %arg9[%swap3A_703, %swap3A_704], %swap3A_707 {strides = array<i32>} : memref<128x64xf32, #tpu.memory_space<vmem>>, vector<1x16xf32>,
        %mul3A_708 = arith.constant 16 : i32
        %mul3A_709 = arith.muli %mul3A_708, %scan3A_109 : i32
        %add3A_710 = arith.constant 15 : i32
        %add3A_711 = arith.addi %mul3A_709, %add3A_710 : i32
        %get3A_712 = arith.index_cast %add3A_711 : i32 to index
        %get3A_713 = arith.constant 0 : index
        %get3A_714 = tpu.vector_load %arg7[%get3A_712, %get3A_713] {strides = array<i32>} : memref<128x128xf32, #tpu.memory_space<vmem>>, vector<1x16xf32>,
        %get3A_715 = vector.shape_cast %get3A_714 : vector<1x16xf32> to vector<16xf32>
        %swap3A_716 = arith.index_cast %add3A_711 : i32 to index
        %swap3A_717 = arith.constant 0 : index
        %swap3A_718 = tpu.vector_load %arg9[%swap3A_716, %swap3A_717] {strides = array<i32>} : memref<128x64xf32, #tpu.memory_space<vmem>>, vector<1x16xf32>,
        %swap3A_719 = vector.shape_cast %swap3A_718 : vector<1x16xf32> to vector<16xf32>
        %swap3A_720 = vector.shape_cast %get3A_715 : vector<16xf32> to vector<1x16xf32>
        tpu.vector_store %arg9[%swap3A_716, %swap3A_717], %swap3A_720 {strides = array<i32>} : memref<128x64xf32, #tpu.memory_space<vmem>>, vector<1x16xf32>,
        %get3A_721 = arith.index_cast %add3A_711 : i32 to index
        %get3A_722 = arith.constant 16 : index
        %get3A_723 = tpu.vector_load %arg7[%get3A_721, %get3A_722] {strides = array<i32>} : memref<128x128xf32, #tpu.memory_space<vmem>>, vector<1x16xf32>,
        %get3A_724 = vector.shape_cast %get3A_723 : vector<1x16xf32> to vector<16xf32>
        %swap3A_725 = arith.index_cast %add3A_711 : i32 to index
        %swap3A_726 = arith.constant 16 : index
        %swap3A_727 = tpu.vector_load %arg9[%swap3A_725, %swap3A_726] {strides = array<i32>} : memref<128x64xf32, #tpu.memory_space<vmem>>, vector<1x16xf32>,
        %swap3A_728 = vector.shape_cast %swap3A_727 : vector<1x16xf32> to vector<16xf32>
        %swap3A_729 = vector.shape_cast %get3A_724 : vector<16xf32> to vector<1x16xf32>
        tpu.vector_store %arg9[%swap3A_725, %swap3A_726], %swap3A_729 {strides = array<i32>} : memref<128x64xf32, #tpu.memory_space<vmem>>, vector<1x16xf32>,
        %get3A_730 = arith.index_cast %add3A_711 : i32 to index
        %get3A_731 = arith.constant 32 : index
        %get3A_732 = tpu.vector_load %arg7[%get3A_730, %get3A_731] {strides = array<i32>} : memref<128x128xf32, #tpu.memory_space<vmem>>, vector<1x16xf32>,
        %get3A_733 = vector.shape_cast %get3A_732 : vector<1x16xf32> to vector<16xf32>
        %swap3A_734 = arith.index_cast %add3A_711 : i32 to index
        %swap3A_735 = arith.constant 32 : index
        %swap3A_736 = tpu.vector_load %arg9[%swap3A_734, %swap3A_735] {strides = array<i32>} : memref<128x64xf32, #tpu.memory_space<vmem>>, vector<1x16xf32>,
        %swap3A_737 = vector.shape_cast %swap3A_736 : vector<1x16xf32> to vector<16xf32>
        %swap3A_738 = vector.shape_cast %get3A_733 : vector<16xf32> to vector<1x16xf32>
        tpu.vector_store %arg9[%swap3A_734, %swap3A_735], %swap3A_738 {strides = array<i32>} : memref<128x64xf32, #tpu.memory_space<vmem>>, vector<1x16xf32>,
        %get3A_739 = arith.index_cast %add3A_711 : i32 to index
        %get3A_740 = arith.constant 48 : index
        %get3A_741 = tpu.vector_load %arg7[%get3A_739, %get3A_740] {strides = array<i32>} : memref<128x128xf32, #tpu.memory_space<vmem>>, vector<1x16xf32>,
        %get3A_742 = vector.shape_cast %get3A_741 : vector<1x16xf32> to vector<16xf32>
        %swap3A_743 = arith.index_cast %add3A_711 : i32 to index
        %swap3A_744 = arith.constant 48 : index
        %swap3A_745 = tpu.vector_load %arg9[%swap3A_743, %swap3A_744] {strides = array<i32>} : memref<128x64xf32, #tpu.memory_space<vmem>>, vector<1x16xf32>,
        %swap3A_746 = vector.shape_cast %swap3A_745 : vector<1x16xf32> to vector<16xf32>
        %swap3A_747 = vector.shape_cast %get3A_742 : vector<16xf32> to vector<1x16xf32>
        tpu.vector_store %arg9[%swap3A_743, %swap3A_744], %swap3A_747 {strides = array<i32>} : memref<128x64xf32, #tpu.memory_space<vmem>>, vector<1x16xf32>,
      }
      %scan3A_99 = arith.constant 8 : i32
      %add3A_100 = arith.constant 1 : i32
      %add3A_101 = arith.addi %mul3A_34, %add3A_100 : i32
      %mul3A_102 = arith.constant 128 : i32
      %mul3A_103 = arith.muli %add3A_101, %mul3A_102 : i32
      %add3A_104 = arith.addi %mul3A_2, %mul3A_103 : i32
      %dma_start3A_105 = arith.constant 0 : i32
      %dma_start3A_106 = tpu.memref_slice %arg4[%add3A_104, %dma_start3A_105] : memref<819200x64xf32, #tpu.memory_space<hbm>> -> memref<128x64xf32, #tpu.memory_space<hbm>>
      %dma_start3A_107 = arith.constant 0 : i32
      %dma_start3A_108 = tpu.memref_slice %arg4[%add3A_104, %dma_start3A_107] : memref<819200x64xf32, #tpu.memory_space<hbm>> -> memref<128x64xf32, #tpu.memory_space<hbm>>
      tpu.enqueue_dma source(%arg9 : memref<128x64xf32, #tpu.memory_space<vmem>>) target(%dma_start3A_108 : memref<128x64xf32, #tpu.memory_space<hbm>>) target_semaphore(%arg13 : memref<!tpu.dma_semaphore, #tpu.memory_space<semaphore_mem>>)
    }
    %scan3A_14 = arith.constant 100 : i32
    %dma_wait3A = arith.constant 0 : i32
    %dma_wait3A_15 = arith.constant 0 : i32
    %dma_wait3A_16 = tpu.memref_slice %arg3[%dma_wait3A, %dma_wait3A_15] : memref<1015808x128xf32, #tpu.memory_space<hbm>> -> memref<128x128xf32, #tpu.memory_space<hbm>>
    %dma_wait3A_17 = arith.constant 0 : i32
    %dma_wait3A_18 = arith.constant 0 : i32
    %dma_wait3A_19 = tpu.memref_slice %arg3[%dma_wait3A_17, %dma_wait3A_18] : memref<1015808x128xf32, #tpu.memory_space<hbm>> -> memref<128x128xf32, #tpu.memory_space<hbm>>
    tpu.wait_dma2 semaphore(%arg10 : memref<!tpu.dma_semaphore, #tpu.memory_space<semaphore_mem>>) src(%dma_wait3A_19 : memref<128x128xf32, #tpu.memory_space<hbm>>) dst(%arg6 : memref<128x128xf32, #tpu.memory_space<vmem>>)
    %dma_wait3A_20 = arith.constant 0 : i32
    %dma_wait3A_21 = arith.constant 0 : i32
    %dma_wait3A_22 = tpu.memref_slice %arg4[%dma_wait3A_20, %dma_wait3A_21] : memref<819200x64xf32, #tpu.memory_space<hbm>> -> memref<128x64xf32, #tpu.memory_space<hbm>>
    %dma_wait3A_23 = arith.constant 0 : i32
    %dma_wait3A_24 = arith.constant 0 : i32
    %dma_wait3A_25 = tpu.memref_slice %arg4[%dma_wait3A_23, %dma_wait3A_24] : memref<819200x64xf32, #tpu.memory_space<hbm>> -> memref<128x64xf32, #tpu.memory_space<hbm>>
    tpu.wait_dma2 semaphore(%arg12 : memref<!tpu.dma_semaphore, #tpu.memory_space<semaphore_mem>>) src(%dma_wait3A_25 : memref<128x64xf32, #tpu.memory_space<hbm>>) dst(%arg8 : memref<128x64xf32, #tpu.memory_space<vmem>>)
    %dma_wait3A_26 = arith.constant 0 : i32
    %dma_wait3A_27 = arith.constant 0 : i32
    %dma_wait3A_28 = tpu.memref_slice %arg4[%dma_wait3A_26, %dma_wait3A_27] : memref<819200x64xf32, #tpu.memory_space<hbm>> -> memref<128x64xf32, #tpu.memory_space<hbm>>
    %dma_wait3A_29 = arith.constant 0 : i32
    %dma_wait3A_30 = arith.constant 0 : i32
    %dma_wait3A_31 = tpu.memref_slice %arg4[%dma_wait3A_29, %dma_wait3A_30] : memref<819200x64xf32, #tpu.memory_space<hbm>> -> memref<128x64xf32, #tpu.memory_space<hbm>>
    tpu.wait_dma2 semaphore(%arg13 : memref<!tpu.dma_semaphore, #tpu.memory_space<semaphore_mem>>) src(%dma_wait3A_31 : memref<128x64xf32, #tpu.memory_space<hbm>>) dst(%arg9 : memref<128x64xf32, #tpu.memory_space<vmem>>)
    return
  }
}

module attributes {stable_mosaic.version = 14 : i64} {
  func.func @body(%arg0: i32, %arg1: memref<64x16384xf32, #tpu.memory_space<vmem>>, %arg2: memref<16384x128xf32, #tpu.memory_space<vmem>>) attributes {dimension_semantics = [#tpu.dimension_semantics<arbitrary>], iteration_bounds = array<i64: 62>, scalar_prefetch = 0 : i64, scratch_operands = 0 : i64, tpu.core_type = #tpu.core_type<tc>, window_params = [{transform_indices = @transform_0, window_bounds = array<i64: 64, 16384>}, {transform_indices = @transform_1, window_bounds = array<i64: 16384, 128>}]} {
    %get3A = arith.constant 0 : index
    %get3A_0 = arith.constant 0 : index
    %get3A_1 = vector.load %arg1[%get3A, %get3A_0] : memref<64x16384xf32, #tpu.memory_space<vmem>>, vector<64x16384xf32>
    %transpose3A = tpu.transpose %get3A_1, [1, 0] : vector<64x16384xf32> -> vector<16384x64xf32>
    %swap3A = arith.constant 0 : index
    %swap3A_2 = arith.constant 0 : index
    %swap3A_3 = vector.load %arg2[%swap3A, %swap3A_2] : memref<16384x128xf32, #tpu.memory_space<vmem>>, vector<16384x64xf32>
    tpu.vector_store %arg2[%swap3A, %swap3A_2], %transpose3A {strides = array<i32>} : memref<16384x128xf32, #tpu.memory_space<vmem>>, vector<16384x64xf32>,
    return
  }
  func.func @transform_0(%arg0: i32) -> (i32, i32) {
    %c0_i32 = arith.constant 0 : i32
    %c0_i32_0 = arith.constant 0 : i32
    return %c0_i32, %arg0 : i32, i32
  }
  func.func @transform_1(%arg0: i32) -> (i32, i32) {
    %c0_i32 = arith.constant 0 : i32
    %c0_i32_0 = arith.constant 0 : i32
    return %arg0, %c0_i32 : i32, i32
  }
}

</mosaic_0001>

<sc_bundles>
// kernel: kernel.4.cloned.1.call-start
scs
__scs_entry_jumppad:
0x0: {  	(pc) =	sbr.rel $0x88, $3  }
0x1: {  	(tag) =	ssettag $0x0;
	lr =	simm.s32 $0x1  }
0x2: {  	[smem:$0x3F9F] =	sst lr;
	_ =	strace $0xD0000000  }
0x3: {  	_ = 	snop  }
0x4: {  	_ = 	snop  }
0x5: {  	_ = 	snop  }
0x6: {  	_ = 	snop  }
0x7: {  	_ = 	snop  }
__scs_overlays_trampoline_lowered:
0x8: {  	[smem:$0x3FAE] =	sst s0  }
0x9: {  	[smem:$0x3FAF] =	sst s1  }
0xa: {  	[smem:$0x3FB0] =	sst s2  }
0xb: {  	[smem:$0x3FB1] =	sst s3  }
0xc: {  	[smem:$0x3FB2] =	sst s4  }
0xd: {  	[smem:$0x3FB3] =	sst s5  }
0xe: {  	[smem:$0x3FB4] =	sst s6  }
0xf: {  	[smem:$0x3FB5] =	sst s7  }
0x10: {  	[smem:$0x3FB6] =	sst s8  }
0x11: {  	[smem:$0x3FB7] =	sst s9;
	s0 =	simm.s32 @!p0 $0x0  }
0x12: {  	s1 =	sld [smem:$0x3F9D];
	s0 =	simm.s32 @p0 $0x1  }
0x13: {  	[smem:$0x3FB8] =	sst s0;
	s0 =	simm.s32 @!p1 $0x0  }
0x14: {  	s2 =	sld [smem:$0x3F9C];
	s0 =	simm.s32 @p1 $0x1  }
0x15: {  	[smem:$0x3FB9] =	sst s0;
	s0 =	simm.s32 @!p2 $0x0  }
0x16: {  	s3 =	sld [smem:$0x3FDB];
	s0 =	simm.s32 @p2 $0x1  }
0x17: {  	s4 =	simm.s32 $0x1BF5;
	[smem:$0x3FBB] =	sst s0  }
0x18: {  	s0 =	sld [smem:$0x3F9E];
	_ =	swait.ge [sflag:s4], $0x0  }
0x19: {  	s7 =	sld [smem:$0x3F9F]  }
0x1a: {  	s8 =	sadd.s32 $0xFFFFE003, lr  }
0x1b: {  	s9 =	sadd.s32 $0xFFFFFEF7, lr;
	s5 =	simm.s32 $0xFFFFFFFF;
	p2 =	slt.u32 s8, $0xFFFFF086  }
0x1c: {  	p1 =	slt.u32 s9, $0xF7A;
	s5 =	simm.s32 @!p2 $0x0  }
0x1d: {  	s5 =	simm.s32 @p1 $0x1;
	p0 =	seq.s32 s7, s2  }
0x1e: {  	s7 =	smul.u32 @!p0 $0xF7A, s2;
	p2 =	seq.s32 @!p0 s5, $0x0  }
0x1f: {  	s9 =	smul.u32 $0xF7A, s1;
	s8 =	simm.s32 @!p0 $0x1BF5;
	p2 =	por !p2, p0  }
0x20: {  	[sflag:s8] =	ssyncset.s32 @!p0 $0xFFFFF086;
	s6 =	sadd.s32 @!p0 s3, s7;
	s7 =	simm.s32 @!p0 $0x108  }
0x21: {  	s3 =	sadd.s32 s3, s9;
	s6 =	sadd.s32 @!p0 $0x88, s6;
	s7 =	simm.s32 @p2 $0x1082  }
0x22: {  	[simem:s7], [sflag:s8] =	dma.local @!p0 [hbm:s6], $0xF7A  }
0x23: {  	s9 =	sor.u32 $0xD0000000, s2;
	s6 =	simm.s32 $0x108;
	_ =	swait.ge @!p0 [sflag:s8], $0x0  }
0x24: {  	s3 =	sadd.s32 $0x88, s3;
	s6 =	simm.s32 @!p1 $0x1082;
	[sflag:s4] =	ssyncset.s32 $0xFFFFF086  }
0x25: {  	[simem:s6], [sflag:s4] =	dma.local [hbm:s3], $0xF7A  }
0x26: {  	[smem:$0x3F9F] =	sst s1;
	(tag) =	ssettag s2;
	_ =	strace s9  }
0x27: {  	s1 =	sld [smem:$0x3FAF]  }
0x28: {  	s2 =	sld [smem:$0x3FB0]  }
0x29: {  	s4 =	sld [smem:$0x3FB2]  }
0x2a: {  	p0 =	seq.s32 s5, $0x0;
	s5 =	sld [smem:$0x3FB3]  }
0x2b: {  	s6 =	sld [smem:$0x3FB4]  }
0x2c: {  	s7 =	sld [smem:$0x3FB5]  }
0x2d: {  	s3 =	simm.s32 $0x108;
	s8 =	sld [smem:$0x3FB6]  }
0x2e: {  	s3 =	simm.s32 @!p0 $0x1082;
	s9 =	sld [smem:$0x3FB7]  }
0x2f: {  	lr =	sadd.s32 s0, s3;
	s0 =	sld [smem:$0x3FAE]  }
0x30: {  	s3 =	sld [smem:$0x3FB1]  }
0x31: {  	[smem:$0x3FBA] =	sst s10  }
0x32: {  	s10 =	sld [smem:$0x3FB8];
	_ =	sdelay $0x3  }
0x33: {  	p0 =	seq.s32 s10, $0x1;
	s10 =	sld [smem:$0x3FBA];
	_ =	sdelay $0x3  }
0x34: {  	[smem:$0x3FBA] =	sst s10  }
0x35: {  	s10 =	sld [smem:$0x3FB9];
	_ =	sdelay $0x3  }
0x36: {  	p1 =	seq.s32 s10, $0x1;
	s10 =	sld [smem:$0x3FBA];
	_ =	sdelay $0x3  }
0x37: {  	[smem:$0x3FBA] =	sst s10  }
0x38: {  	s10 =	sld [smem:$0x3FBB]  }
0x39: {  	_ = 	snop;
	(pc) =	sbr.ind lr, $3  }
0x3a: {  	_ = 	snop  }
0x3b: {  	_ = 	snop  }
0x3c: {  	p2 =	seq.s32 s10, $0x1;
	s10 =	sld [smem:$0x3FBA]  }
0x3d: {  	_ =	shalt  }
0x3e: {  	_ =	shalt  }
0x3f: {  	_ =	shalt  }
0x40: {  	_ =	shalt  }
0x41: {  	_ =	shalt  }
0x42: {  	_ =	shalt  }
0x43: {  	_ =	shalt  }
0x44: {  	_ =	shalt  }
0x45: {  	_ =	shalt  }
0x46: {  	_ =	shalt  }
0x47: {  	_ =	shalt  }
0x48: {  	_ =	shalt  }
0x49: {  	_ =	shalt  }
0x4a: {  	_ =	shalt  }
0x4b: {  	_ =	shalt  }
0x4c: {  	_ =	shalt  }
0x4d: {  	_ =	shalt  }
0x4e: {  	_ =	shalt  }
0x4f: {  	_ =	shalt  }
0x50: {  	_ =	shalt  }
0x51: {  	_ =	shalt  }
0x52: {  	_ =	shalt  }
0x53: {  	_ =	shalt  }
0x54: {  	_ =	shalt  }
0x55: {  	_ =	shalt  }
0x56: {  	_ =	shalt  }
0x57: {  	_ =	shalt  }
0x58: {  	_ =	shalt  }
0x59: {  	_ =	shalt  }
0x5a: {  	_ =	shalt  }
0x5b: {  	_ =	shalt  }
0x5c: {  	_ =	shalt  }
0x5d: {  	_ =	shalt  }
0x5e: {  	_ =	shalt  }
0x5f: {  	_ =	shalt  }
0x60: {  	_ =	shalt  }
0x61: {  	_ =	shalt  }
0x62: {  	_ =	shalt  }
0x63: {  	_ =	shalt  }
0x64: {  	_ =	shalt  }
0x65: {  	_ =	shalt  }
0x66: {  	_ =	shalt  }
0x67: {  	_ =	shalt  }
0x68: {  	_ =	shalt  }
0x69: {  	_ =	shalt  }
0x6a: {  	_ =	shalt  }
0x6b: {  	_ =	shalt  }
0x6c: {  	_ =	shalt  }
0x6d: {  	_ =	shalt  }
0x6e: {  	_ =	shalt  }
0x6f: {  	_ =	shalt  }
0x70: {  	_ =	shalt  }
0x71: {  	_ =	shalt  }
0x72: {  	_ =	shalt  }
0x73: {  	_ =	shalt  }
0x74: {  	_ =	shalt  }
0x75: {  	_ =	shalt  }
0x76: {  	_ =	shalt  }
0x77: {  	_ =	shalt  }
0x78: {  	_ =	shalt  }
0x79: {  	_ =	shalt  }
0x7a: {  	_ =	shalt  }
0x7b: {  	_ =	shalt  }
0x7c: {  	_ =	shalt  }
0x7d: {  	_ =	shalt  }
0x7e: {  	_ =	shalt  }
0x7f: {  	_ =	shalt  }
0x80: {  	_ =	shalt  }
0x81: {  	_ =	shalt  }
0x82: {  	_ =	shalt  }
0x83: {  	_ =	shalt  }
0x84: {  	_ =	shalt  }
0x85: {  	_ =	shalt  }
0x86: {  	_ =	shalt  }
0x87: {  	_ =	shalt  }
.Lfunc_end0:
.L_simem_size_0:
called_computation.1_lowered:
.L_overlay_start_0:
0x88: {  	s2 =	sld [smem:$0x3FD9]  }
0x89: {  	s3 =	sld [smem:$0x3FFE];
	_ =	sdelay $0x1  }
0x8a: {  	s1 =	srdreg.scid  }
0x8b: {  	s0 =	sand.u32 $0x1, s1  }
0x8c: {  	s17 =	sshll.u32 s0, $0xA;
	s2 =	sadd.s32 s3, s2  }
0x8d: {  	s2 =	sadd.s32 s2, s17  }
0x8e: {  	[smem:$0x3FC6] =	sst s2  }
0x8f: {  	_ = 	snop  }
0x90: {  	s2 =	sld [smem:$0x3FD0];
	(tm) =	ssettm $0x1  }
0x91: {  	s18 =	sld [smem:$0x3FFB];
	_ =	sdelay $0x3  }
0x92: {  	_ =	strace s18  }
0x93: {  	s3 =	sld [smem:$0x3FFC];
	_ =	sdelay $0x3  }
0x94: {  	_ =	strace s3  }
0x95: {  	s3 =	sld [smem:$0x3FFD];
	_ =	sdelay $0x3  }
0x96: {  	_ =	strace s3  }
0x97: {  	_ =	strace $0x8FFFFFFF  }
0x98: {  	s19 =	sld [smem:$0x3FDB];
	_ =	sdelay $0x1  }
0x99: {  	s4 =	simm.s32 $_scs_section_size  }
0x9a: {  	s5 =	simm.s32 $_size__tile_overlayer_lowered;
	s6 =	simm.s32 $_tile_overlayer_lowered  }
0x9b: {  	s22 =	simm.s32 $0x1BFF;
	s21 =	sshll.u32 s6, $0x1;
	s3 =	sadd.s32 s4, s19  }
0x9c: {  	s7 =	simm.s32 $0x0;
	s20 =	sshll.u32 s5, $0x1;
	s5 =	sadd.s32 s21, s3  }
0x9d: {  	[timem:s7], [sflag:s22] =	dma.local [hbm:s5], s20  }
0x9e: {  	_ =	swait.ge [sflag:s22], s20  }
0x9f: {  	s4 =	ssub.s32 $0x0, s20;
	[sflag:s22] =	ssyncset.done $0x0  }
0xa0: {  	[sflag:s22] =	ssyncadd.s32 s4;
	_ =	sdelay $0x1  }
0xa1: {  	s23 =	simm.s32 $0x1B8B  }
0xa2: {  	_ =	swait.ge [sflag:s23], $0x1  }
0xa3: {  	[sflag:s23] =	ssyncset.done $0x0  }
0xa4: {  	s25 =	simm.s32 $0x1B8E;
	s24 =	sld [smem:$0x3FFE];
	[sflag:s23] =	ssyncadd.s32 $0xFFFFFFFF  }
0xa5: {  	s26 =	simm.s32 $execute0_lowered;
	[smem:$0x3FD2] =	sst s25  }
0xa6: {  	s5 =	sshll.u32 s26, $0x1;
	_ =	strace $0x80000046;
	[dreg:$0x1] =	wrdreg $0xFFFFFFFF  }
0xa7: {  	s28 =	simm.s32 $_size_execute0_lowered;
	s3 =	sadd.s32 s3, s5;
	[dreg:$0x0] =	wrdreg $0x0  }
0xa8: {  	s5 =	sshll.u32 s28, $0x1;
	[dreg:$0x2] =	wrdreg s3  }
0xa9: {  	[dreg:$0x3] =	wrdreg s5  }
0xaa: {  	[dreg:$0x4] =	wrdreg $0xC0  }
0xab: {  	_ =	task [dreg:s7], $0x5FFFF  }
0xac: {  	[dreg:$0x1] =	wrdreg $0xFFFFFFFF  }
0xad: {  	[dreg:$0x0] =	wrdreg $0x60  }
0xae: {  	[dreg:$0x2] =	wrdreg s2  }
0xaf: {  	[dreg:$0x3] =	wrdreg s24  }
0xb0: {  	[dreg:$0x4] =	wrdreg $0x9  }
0xb1: {  	_ =	task.clear_ibuf [dreg:s7], $0x5FFFF;
	_ =	strace $0x90000046  }
0xb2: {  	s29 =	simm.s32 $0x9;
	_ =	strace $0x80000048  }
0xb3: {  	_ =	swait.ge [sflag:s29], $0x1  }
0xb4: {  	[sflag:s29] =	ssyncadd.s32 $0xFFFFFFFF  }
0xb5: {  	_ =	strace $0x90000048  }
0xb6: {  	_ =	sfence  }
0xb7: {  	s30 =	sld [smem:$0x0];
	_ =	sdelay $0x2  }
0xb8: {  	s31 =	sshll.u32 s1, $0xD;
	s1 =	sshrl.u32 s1, $0x2  }
0xb9: {  	s3 =	sand.u32 $0x4000, s31;
	s1 =	sadd.s32 s1, s30  }
0xba: {  	s0 =	sor.u32 s3, s0;
	s1 =	sshll.u32 s1, $0x11  }
0xbb: {  	s0 =	sor.u32 s1, s0  }
0xbc: {  	s0 =	sadd.s32 $0x8F2B, s0  }
0xbd: {  	[sflag:s0] =	ssyncadd.remote.s32 $0x1  }
0xbe: {  	_ =	sfence.sel $0xFFFF  }
0xbf: {  	[dreg:$0x0] =	wrdreg $0xFFFFFFFF;
	(pc) =	sbr.abs _section_cstart, $3  }
0xc0: {  	[dreg:$0x1] =	wrdreg $0xFFFFFFFF  }
0xc1: {  	_ =	task.clear_ibuf [dreg:s7], $0x2FFFF;
	_ =	strace $0x9FFFFFFF  }
0xc2: {  	(tm) =	ssettm $0x7FFFFFFF  }
0xc3: {  	_ =	shalt  }
tec
execute0_lowered:
.L_overlay_start_1:
0x0: {  	(tag) =	ssettag $0x1  }
0x1: {  	s6 =	rddreg [dreg:$0x0];
	s1 =	srdreg.scid  }
0x2: {  	s0 =	stileid.u32;
	s5 =	rddreg [dreg:$0x1];
	s2 =	simm.s32 $0x0  }
0x3: {  	s11 =	simm.s32 $0x6400;
	s12 =	simm.s32 $0xA400;
	s13 =	simm.s32 $0x1  }
0x4: {  	s14 =	simm.s32 $0xE400;
	s15 =	simm.s32 $0x2;
	s16 =	simm.s32 $0x12400  }
0x5: {  	s17 =	simm.s32 $0x3;
	s18 =	simm.s32 $0x4;
	s19 =	simm.s32 $0x0  }
0x6: {  	s7 =	sand.u32 $0x1, s1;
	s3 =	sshll.u32 s0, $0x1;
	s1 =	rddreg [dreg:$0x2]  }
0x7: {  	[smem:$0x7FF] =	sst s2;
	s8 =	sor.u32 s7, s3;
	s7 =	ssub.s32 $0x2, s7  }
0x8: {  	s4 =	sadd.s32 $0x800, s5;
	s3 =	smul.u32 $0x6400, s8;
	s9 =	sshrl.u32 s7, $0x1  }
0x9: {  	s5 =	sadd.s32 $0xF80800, s5;
	_ =	strace $0x80000047;
	s9 =	ssub.s32 s7, s9  }
0xa: {  	s7 =	smul.u32 $0x320000, s8;
	s10 =	sshrl.u32 s3, $0x3;
	s8 =	smax.u32 s9, $0x1  }
0xb: {  	s9 =	simm.s32 $0x5;
	s6 =	sadd.s32 s6, s10;
	s10 =	simm.s32 $0x80  }
.LBB2_1:
0xc: {  	[tilespmem:s2], [sflag:$0x5] =	stream.linear.gather [hbm4b:s6+s2], $0x6400, $0x38;
	[tilespmem:$0x16400] =	vst v63  }
0xd: {  	_ =	swait.ge [sflag:s9], $0x6400  }
0xe: {  	[sflag:s9] =	ssyncset.done $0x0  }
0xf: {  	s20 =	simm.s32 $0x0;
	[sflag:s9] =	ssyncadd.s32 $0xFFFF9C00  }
0x10: {  	[tilespmem:s11], [sflag:$0x1] =	stream.indirect.gather [hbm4b:s4+s10], $0x80, s2, s10, $0xb8;
	[tilespmem:$0x16400] =	vst v63  }
.LBB2_2:
0x11: {  	s21 =	sshll.u32 s20, $0x8  }
0x12: {  	s21 =	sor.u32 $0x80, s21  }
0x13: {  	[tilespmem:s12], [sflag:$0x2] =	stream.indirect.gather [hbm4b:s4+s10], $0x80, s21, s10, $0xb8;
	[tilespmem:$0x16400] =	vst v63  }
0x14: {  	_ =	swait.ge [sflag:s13], $0x4000  }
0x15: {  	p0 =	seq.s32 s20, $0x0;
	[sflag:s13] =	ssyncset.done $0x0  }
0x16: {  	s22 =	simm.s32 @!p0 $0x3;
	[sflag:s13] =	ssyncadd.s32 $0xFFFFC000  }
0x17: {  	_ =	swait.ge @!p0 [sflag:s22], $0x4000  }
0x18: {  	[sflag:s22] =	ssyncset.done @!p0 $0x0  }
0x19: {  	s23 =	simm.s32 $0x0;
	[sflag:s22] =	ssyncadd.s32 @!p0 $0xFFFFC000  }
0x1a: {  	v0 =	vld [tilespmem:s23+$0x6BB0]  }
0x1b: {  	v1 =	vld [tilespmem:s23+$0x6400]  }
0x1c: {  	v2 =	vld [tilespmem:s23+$0x6410]  }
0x1d: {  	v3 =	vld [tilespmem:s23+$0x6420]  }
0x1e: {  	v4 =	vld [tilespmem:s23+$0x6430]  }
0x1f: {  	v5 =	vld [tilespmem:s23+$0x6480];
	[tilespmem:s23+$0xEBB0] =	vst v0  }
0x20: {  	v6 =	vld [tilespmem:s23+$0x6B00];
	[tilespmem:s23+$0xE400] =	vst v1  }
0x21: {  	v7 =	vld [tilespmem:s23+$0x6B10];
	[tilespmem:s23+$0xE410] =	vst v2  }
0x22: {  	v0 =	vld [tilespmem:s23+$0x6490];
	[tilespmem:s23+$0xE420] =	vst v3  }
0x23: {  	v1 =	vld [tilespmem:s23+$0x64A0];
	[tilespmem:s23+$0xE430] =	vst v4  }
0x24: {  	v2 =	vld [tilespmem:s23+$0x64B0];
	[tilespmem:s23+$0xE480] =	vst v5  }
0x25: {  	v3 =	vld [tilespmem:s23+$0x6500];
	[tilespmem:s23+$0xEB00] =	vst v6  }
0x26: {  	v4 =	vld [tilespmem:s23+$0x6510];
	[tilespmem:s23+$0xEB10] =	vst v7  }
0x27: {  	v5 =	vld [tilespmem:s23+$0x6AB0];
	[tilespmem:s23+$0xE490] =	vst v0  }
0x28: {  	v0 =	vld [tilespmem:s23+$0x6520];
	[tilespmem:s23+$0xE4A0] =	vst v1  }
0x29: {  	v1 =	vld [tilespmem:s23+$0x6530];
	[tilespmem:s23+$0xE4B0] =	vst v2  }
0x2a: {  	v2 =	vld [tilespmem:s23+$0x6580];
	[tilespmem:s23+$0xE500] =	vst v3  }
0x2b: {  	v3 =	vld [tilespmem:s23+$0x6590];
	[tilespmem:s23+$0xE510] =	vst v4  }
0x2c: {  	v4 =	vld [tilespmem:s23+$0x65A0];
	[tilespmem:s23+$0xEAB0] =	vst v5  }
0x2d: {  	[tilespmem:s23+$0xE520] =	vst v0;
	v0 =	vld [tilespmem:s23+$0x65B0]  }
0x2e: {  	[tilespmem:s23+$0xE530] =	vst v1;
	v1 =	vld [tilespmem:s23+$0x6600]  }
0x2f: {  	[tilespmem:s23+$0xE580] =	vst v2;
	v2 =	vld [tilespmem:s23+$0x6610]  }
0x30: {  	[tilespmem:s23+$0xE590] =	vst v3;
	v3 =	vld [tilespmem:s23+$0x6620]  }
0x31: {  	[tilespmem:s23+$0xE5A0] =	vst v4;
	v4 =	vld [tilespmem:s23+$0x6630]  }
0x32: {  	[tilespmem:s23+$0xE5B0] =	vst v0;
	v0 =	vld [tilespmem:s23+$0x6680]  }
0x33: {  	[tilespmem:s23+$0xE600] =	vst v1;
	v1 =	vld [tilespmem:s23+$0x6690]  }
0x34: {  	[tilespmem:s23+$0xE610] =	vst v2;
	v2 =	vld [tilespmem:s23+$0x66A0]  }
0x35: {  	[tilespmem:s23+$0xE620] =	vst v3;
	v3 =	vld [tilespmem:s23+$0x66B0]  }
0x36: {  	[tilespmem:s23+$0xE630] =	vst v4;
	v4 =	vld [tilespmem:s23+$0x6700]  }
0x37: {  	[tilespmem:s23+$0xE680] =	vst v0;
	v0 =	vld [tilespmem:s23+$0x6710]  }
0x38: {  	[tilespmem:s23+$0xE690] =	vst v1;
	v1 =	vld [tilespmem:s23+$0x6720]  }
0x39: {  	[tilespmem:s23+$0xE6A0] =	vst v2;
	v2 =	vld [tilespmem:s23+$0x6730]  }
0x3a: {  	[tilespmem:s23+$0xE6B0] =	vst v3;
	v3 =	vld [tilespmem:s23+$0x6780]  }
0x3b: {  	[tilespmem:s23+$0xE700] =	vst v4;
	v4 =	vld [tilespmem:s23+$0x6790]  }
0x3c: {  	[tilespmem:s23+$0xE710] =	vst v0;
	v0 =	vld [tilespmem:s23+$0x67A0]  }
0x3d: {  	[tilespmem:s23+$0xE720] =	vst v1;
	v1 =	vld [tilespmem:s23+$0x67B0]  }
0x3e: {  	[tilespmem:s23+$0xE730] =	vst v2;
	v2 =	vld [tilespmem:s23+$0x6800]  }
0x3f: {  	[tilespmem:s23+$0xE780] =	vst v3;
	v3 =	vld [tilespmem:s23+$0x6810]  }
0x40: {  	[tilespmem:s23+$0xE790] =	vst v4;
	v4 =	vld [tilespmem:s23+$0x6820]  }
0x41: {  	[tilespmem:s23+$0xE7A0] =	vst v0;
	v0 =	vld [tilespmem:s23+$0x6830]  }
0x42: {  	[tilespmem:s23+$0xE7B0] =	vst v1;
	v1 =	vld [tilespmem:s23+$0x6880]  }
0x43: {  	[tilespmem:s23+$0xE800] =	vst v2;
	v2 =	vld [tilespmem:s23+$0x6890]  }
0x44: {  	[tilespmem:s23+$0xE810] =	vst v3;
	v3 =	vld [tilespmem:s23+$0x68A0]  }
0x45: {  	[tilespmem:s23+$0xE820] =	vst v4;
	v4 =	vld [tilespmem:s23+$0x68B0]  }
0x46: {  	[tilespmem:s23+$0xE830] =	vst v0;
	v0 =	vld [tilespmem:s23+$0x6900]  }
0x47: {  	[tilespmem:s23+$0xE880] =	vst v1;
	v1 =	vld [tilespmem:s23+$0x6910]  }
0x48: {  	[tilespmem:s23+$0xE890] =	vst v2;
	v2 =	vld [tilespmem:s23+$0x6920]  }
0x49: {  	[tilespmem:s23+$0xE8A0] =	vst v3;
	v3 =	vld [tilespmem:s23+$0x6930]  }
0x4a: {  	[tilespmem:s23+$0xE8B0] =	vst v4;
	v4 =	vld [tilespmem:s23+$0x6980]  }
0x4b: {  	[tilespmem:s23+$0xE900] =	vst v0;
	v0 =	vld [tilespmem:s23+$0x6990]  }
0x4c: {  	[tilespmem:s23+$0xE910] =	vst v1;
	v1 =	vld [tilespmem:s23+$0x69A0]  }
0x4d: {  	[tilespmem:s23+$0xE920] =	vst v2;
	v2 =	vld [tilespmem:s23+$0x69B0]  }
0x4e: {  	[tilespmem:s23+$0xE930] =	vst v3;
	v3 =	vld [tilespmem:s23+$0x6A00]  }
0x4f: {  	[tilespmem:s23+$0xE980] =	vst v4;
	v4 =	vld [tilespmem:s23+$0x6A10]  }
0x50: {  	[tilespmem:s23+$0xE990] =	vst v0;
	v0 =	vld [tilespmem:s23+$0x6A20]  }
0x51: {  	[tilespmem:s23+$0xE9A0] =	vst v1;
	v1 =	vld [tilespmem:s23+$0x6A30]  }
0x52: {  	[tilespmem:s23+$0xE9B0] =	vst v2;
	v2 =	vld [tilespmem:s23+$0x6A80]  }
0x53: {  	[tilespmem:s23+$0xEA00] =	vst v3;
	v3 =	vld [tilespmem:s23+$0x6A90]  }
0x54: {  	[tilespmem:s23+$0xEA10] =	vst v4;
	v4 =	vld [tilespmem:s23+$0x6AA0]  }
0x55: {  	[tilespmem:s23+$0xEA20] =	vst v0;
	v0 =	vld [tilespmem:s23+$0x6B20]  }
0x56: {  	[tilespmem:s23+$0xEA30] =	vst v1;
	v1 =	vld [tilespmem:s23+$0x6B30]  }
0x57: {  	[tilespmem:s23+$0xEA80] =	vst v2;
	v2 =	vld [tilespmem:s23+$0x6B80]  }
0x58: {  	[tilespmem:s23+$0xEA90] =	vst v3;
	v3 =	vld [tilespmem:s23+$0x6B90]  }
0x59: {  	s25 =	simm.s32 $0x800;
	s24 =	simm.s32 $0x4000;
	s22 =	sshll.u32 s20, $0x1;
	[tilespmem:s23+$0xEAA0] =	vst v4;
	v4 =	vld [tilespmem:s23+$0x6BA0]  }
.LBB2_3:
0x5a: {  	p1 =	sne.s32 s24, $0xE000;
	v5 =	vld [tilespmem:s25+$0x6BB0];
	[tilespmem:s23+$0xEB20] =	vst v0  }
0x5b: {  	v0 =	vld [tilespmem:s25+$0x6400];
	[tilespmem:s23+$0xEB30] =	vst v1  }
0x5c: {  	v1 =	vld [tilespmem:s25+$0x6410];
	[tilespmem:s23+$0xEB80] =	vst v2  }
0x5d: {  	v2 =	vld [tilespmem:s25+$0x6420];
	[tilespmem:s23+$0xEB90] =	vst v3  }
0x5e: {  	v3 =	vld [tilespmem:s25+$0x6430];
	[tilespmem:s23+$0xEBA0] =	vst v4;
	s23 =	smov.u32 s25  }
0x5f: {  	v4 =	vld [tilespmem:s23+$0x6480];
	[tilespmem:s23+$0xEBB0] =	vst v5  }
0x60: {  	[tilespmem:s23+$0xE400] =	vst v0;
	v0 =	vld [tilespmem:s23+$0x6490]  }
0x61: {  	[tilespmem:s23+$0xE410] =	vst v1;
	v1 =	vld [tilespmem:s23+$0x64A0]  }
0x62: {  	[tilespmem:s23+$0xE420] =	vst v2;
	v2 =	vld [tilespmem:s23+$0x64B0]  }
0x63: {  	[tilespmem:s23+$0xE430] =	vst v3;
	v3 =	vld [tilespmem:s23+$0x6500]  }
0x64: {  	[tilespmem:s23+$0xE480] =	vst v4;
	v4 =	vld [tilespmem:s23+$0x6510]  }
0x65: {  	[tilespmem:s23+$0xE490] =	vst v0;
	v0 =	vld [tilespmem:s23+$0x6520]  }
0x66: {  	[tilespmem:s23+$0xE4A0] =	vst v1;
	v1 =	vld [tilespmem:s23+$0x6530]  }
0x67: {  	[tilespmem:s23+$0xE4B0] =	vst v2;
	v2 =	vld [tilespmem:s23+$0x6580]  }
0x68: {  	[tilespmem:s23+$0xE500] =	vst v3;
	v3 =	vld [tilespmem:s23+$0x6590]  }
0x69: {  	[tilespmem:s23+$0xE510] =	vst v4;
	v4 =	vld [tilespmem:s23+$0x65A0]  }
0x6a: {  	[tilespmem:s23+$0xE520] =	vst v0;
	v0 =	vld [tilespmem:s23+$0x65B0]  }
0x6b: {  	[tilespmem:s23+$0xE530] =	vst v1;
	v1 =	vld [tilespmem:s23+$0x6600]  }
0x6c: {  	[tilespmem:s23+$0xE580] =	vst v2;
	v2 =	vld [tilespmem:s23+$0x6610]  }
0x6d: {  	[tilespmem:s23+$0xE590] =	vst v3;
	v3 =	vld [tilespmem:s23+$0x6620]  }
0x6e: {  	[tilespmem:s23+$0xE5A0] =	vst v4;
	v4 =	vld [tilespmem:s23+$0x6630]  }
0x6f: {  	[tilespmem:s23+$0xE5B0] =	vst v0;
	v0 =	vld [tilespmem:s23+$0x6680]  }
0x70: {  	[tilespmem:s23+$0xE600] =	vst v1;
	v1 =	vld [tilespmem:s23+$0x6690]  }
0x71: {  	[tilespmem:s23+$0xE610] =	vst v2;
	v2 =	vld [tilespmem:s23+$0x66A0]  }
0x72: {  	[tilespmem:s23+$0xE620] =	vst v3;
	v3 =	vld [tilespmem:s23+$0x66B0]  }
0x73: {  	[tilespmem:s23+$0xE630] =	vst v4;
	v4 =	vld [tilespmem:s23+$0x6700]  }
0x74: {  	[tilespmem:s23+$0xE680] =	vst v0;
	v0 =	vld [tilespmem:s23+$0x6710]  }
0x75: {  	[tilespmem:s23+$0xE690] =	vst v1;
	v1 =	vld [tilespmem:s23+$0x6720]  }
0x76: {  	[tilespmem:s23+$0xE6A0] =	vst v2;
	v2 =	vld [tilespmem:s23+$0x6730]  }
0x77: {  	[tilespmem:s23+$0xE6B0] =	vst v3;
	v3 =	vld [tilespmem:s23+$0x6780]  }
0x78: {  	[tilespmem:s23+$0xE700] =	vst v4;
	v4 =	vld [tilespmem:s23+$0x6790]  }
0x79: {  	[tilespmem:s23+$0xE710] =	vst v0;
	v0 =	vld [tilespmem:s23+$0x67A0]  }
0x7a: {  	[tilespmem:s23+$0xE720] =	vst v1;
	v1 =	vld [tilespmem:s23+$0x67B0]  }
0x7b: {  	[tilespmem:s23+$0xE730] =	vst v2;
	v2 =	vld [tilespmem:s23+$0x6800]  }
0x7c: {  	[tilespmem:s23+$0xE780] =	vst v3;
	v3 =	vld [tilespmem:s23+$0x6810]  }
0x7d: {  	[tilespmem:s23+$0xE790] =	vst v4;
	v4 =	vld [tilespmem:s23+$0x6820]  }
0x7e: {  	[tilespmem:s23+$0xE7A0] =	vst v0;
	v0 =	vld [tilespmem:s23+$0x6830]  }
0x7f: {  	[tilespmem:s23+$0xE7B0] =	vst v1;
	v1 =	vld [tilespmem:s23+$0x6880]  }
0x80: {  	[tilespmem:s23+$0xE800] =	vst v2;
	v2 =	vld [tilespmem:s23+$0x6890]  }
0x81: {  	[tilespmem:s23+$0xE810] =	vst v3;
	v3 =	vld [tilespmem:s23+$0x68A0]  }
0x82: {  	[tilespmem:s23+$0xE820] =	vst v4;
	v4 =	vld [tilespmem:s23+$0x68B0]  }
0x83: {  	[tilespmem:s23+$0xE830] =	vst v0;
	v0 =	vld [tilespmem:s23+$0x6900]  }
0x84: {  	[tilespmem:s23+$0xE880] =	vst v1;
	v1 =	vld [tilespmem:s23+$0x6910]  }
0x85: {  	[tilespmem:s23+$0xE890] =	vst v2;
	v2 =	vld [tilespmem:s23+$0x6920]  }
0x86: {  	[tilespmem:s23+$0xE8A0] =	vst v3;
	v3 =	vld [tilespmem:s23+$0x6930]  }
0x87: {  	[tilespmem:s23+$0xE8B0] =	vst v4;
	v4 =	vld [tilespmem:s23+$0x6980]  }
0x88: {  	[tilespmem:s23+$0xE900] =	vst v0;
	v0 =	vld [tilespmem:s23+$0x6990]  }
0x89: {  	[tilespmem:s23+$0xE910] =	vst v1;
	v1 =	vld [tilespmem:s23+$0x69A0]  }
0x8a: {  	[tilespmem:s23+$0xE920] =	vst v2;
	v2 =	vld [tilespmem:s23+$0x69B0]  }
0x8b: {  	[tilespmem:s23+$0xE930] =	vst v3;
	v3 =	vld [tilespmem:s23+$0x6A00]  }
0x8c: {  	[tilespmem:s23+$0xE980] =	vst v4;
	v4 =	vld [tilespmem:s23+$0x6A10]  }
0x8d: {  	[tilespmem:s23+$0xE990] =	vst v0;
	v0 =	vld [tilespmem:s23+$0x6A20]  }
0x8e: {  	[tilespmem:s23+$0xE9A0] =	vst v1;
	v1 =	vld [tilespmem:s23+$0x6A30]  }
0x8f: {  	[tilespmem:s23+$0xE9B0] =	vst v2;
	v2 =	vld [tilespmem:s23+$0x6A80]  }
0x90: {  	[tilespmem:s23+$0xEA00] =	vst v3;
	v3 =	vld [tilespmem:s23+$0x6A90]  }
0x91: {  	[tilespmem:s23+$0xEA10] =	vst v4;
	v4 =	vld [tilespmem:s23+$0x6AA0]  }
0x92: {  	[tilespmem:s23+$0xEA20] =	vst v0;
	v5 =	vld [tilespmem:s23+$0x6AB0]  }
0x93: {  	[tilespmem:s23+$0xEA30] =	vst v1;
	v6 =	vld [tilespmem:s23+$0x6B00]  }
0x94: {  	[tilespmem:s23+$0xEA80] =	vst v2;
	v7 =	vld [tilespmem:s23+$0x6B10]  }
.Ltmp0:
0x95: {  	[tilespmem:s23+$0xEA90] =	vst v3;
	v0 =	vld [tilespmem:s23+$0x6B20];
	(pc) =	sbr.rel @p1 .LBB2_3-.Ltmp0, $4  }
0x96: {  	[tilespmem:s23+$0xEAA0] =	vst v4;
	v1 =	vld [tilespmem:s23+$0x6B30]  }
0x97: {  	[tilespmem:s23+$0xEAB0] =	vst v5;
	v2 =	vld [tilespmem:s23+$0x6B80]  }
0x98: {  	[tilespmem:s23+$0xEB00] =	vst v6;
	v3 =	vld [tilespmem:s23+$0x6B90]  }
0x99: {  	s25 =	sshra.s32 s24, $0x2;
	s24 =	sadd.s32 $0x2000, s24;
	[tilespmem:s23+$0xEB10] =	vst v7;
	v4 =	vld [tilespmem:s23+$0x6BA0]  }
0x9a: {  	v5 =	vld [tilespmem:s25+$0x6BB0];
	[tilespmem:s23+$0xEB20] =	vst v0  }
0x9b: {  	v0 =	vld [tilespmem:s25+$0x6400];
	[tilespmem:s23+$0xEB30] =	vst v1  }
0x9c: {  	v1 =	vld [tilespmem:s25+$0x6410];
	[tilespmem:s23+$0xEB80] =	vst v2  }
0x9d: {  	v2 =	vld [tilespmem:s25+$0x6420];
	[tilespmem:s23+$0xEB90] =	vst v3  }
0x9e: {  	v3 =	vld [tilespmem:s25+$0x6430];
	[tilespmem:s23+$0xEBA0] =	vst v4  }
0x9f: {  	v4 =	vld [tilespmem:s25+$0x6480];
	[tilespmem:s25+$0xEBB0] =	vst v5  }
0xa0: {  	[tilespmem:s25+$0xE400] =	vst v0;
	v0 =	vld [tilespmem:s25+$0x6490]  }
0xa1: {  	[tilespmem:s25+$0xE410] =	vst v1;
	v1 =	vld [tilespmem:s25+$0x64A0]  }
0xa2: {  	[tilespmem:s25+$0xE420] =	vst v2;
	v2 =	vld [tilespmem:s25+$0x64B0]  }
0xa3: {  	[tilespmem:s25+$0xE430] =	vst v3;
	v3 =	vld [tilespmem:s25+$0x6500]  }
0xa4: {  	[tilespmem:s25+$0xE480] =	vst v4;
	v4 =	vld [tilespmem:s25+$0x6510]  }
0xa5: {  	[tilespmem:s25+$0xE490] =	vst v0;
	v0 =	vld [tilespmem:s25+$0x6520]  }
0xa6: {  	[tilespmem:s25+$0xE4A0] =	vst v1;
	v1 =	vld [tilespmem:s25+$0x6530]  }
0xa7: {  	[tilespmem:s25+$0xE4B0] =	vst v2;
	v2 =	vld [tilespmem:s25+$0x6580]  }
0xa8: {  	[tilespmem:s25+$0xE500] =	vst v3;
	v3 =	vld [tilespmem:s25+$0x6590]  }
0xa9: {  	[tilespmem:s25+$0xE510] =	vst v4;
	v4 =	vld [tilespmem:s25+$0x65A0]  }
0xaa: {  	[tilespmem:s25+$0xE520] =	vst v0;
	v0 =	vld [tilespmem:s25+$0x65B0]  }
0xab: {  	[tilespmem:s25+$0xE530] =	vst v1;
	v1 =	vld [tilespmem:s25+$0x6600]  }
0xac: {  	[tilespmem:s25+$0xE580] =	vst v2;
	v2 =	vld [tilespmem:s25+$0x6610]  }
0xad: {  	[tilespmem:s25+$0xE590] =	vst v3;
	v3 =	vld [tilespmem:s25+$0x6620]  }
0xae: {  	[tilespmem:s25+$0xE5A0] =	vst v4;
	v4 =	vld [tilespmem:s25+$0x6630]  }
0xaf: {  	[tilespmem:s25+$0xE5B0] =	vst v0;
	v0 =	vld [tilespmem:s25+$0x6680]  }
0xb0: {  	[tilespmem:s25+$0xE600] =	vst v1;
	v1 =	vld [tilespmem:s25+$0x6690]  }
0xb1: {  	[tilespmem:s25+$0xE610] =	vst v2;
	v2 =	vld [tilespmem:s25+$0x66A0]  }
0xb2: {  	[tilespmem:s25+$0xE620] =	vst v3;
	v3 =	vld [tilespmem:s25+$0x66B0]  }
0xb3: {  	[tilespmem:s25+$0xE630] =	vst v4;
	v4 =	vld [tilespmem:s25+$0x6700]  }
0xb4: {  	[tilespmem:s25+$0xE680] =	vst v0;
	v0 =	vld [tilespmem:s25+$0x6710]  }
0xb5: {  	[tilespmem:s25+$0xE690] =	vst v1;
	v1 =	vld [tilespmem:s25+$0x6720]  }
0xb6: {  	[tilespmem:s25+$0xE6A0] =	vst v2;
	v2 =	vld [tilespmem:s25+$0x6730]  }
0xb7: {  	[tilespmem:s25+$0xE6B0] =	vst v3;
	v3 =	vld [tilespmem:s25+$0x6780]  }
0xb8: {  	[tilespmem:s25+$0xE700] =	vst v4;
	v4 =	vld [tilespmem:s25+$0x6790]  }
0xb9: {  	[tilespmem:s25+$0xE710] =	vst v0;
	v0 =	vld [tilespmem:s25+$0x67A0]  }
0xba: {  	[tilespmem:s25+$0xE720] =	vst v1;
	v1 =	vld [tilespmem:s25+$0x67B0]  }
0xbb: {  	[tilespmem:s25+$0xE730] =	vst v2;
	v2 =	vld [tilespmem:s25+$0x6800]  }
0xbc: {  	[tilespmem:s25+$0xE780] =	vst v3;
	v3 =	vld [tilespmem:s25+$0x6810]  }
0xbd: {  	[tilespmem:s25+$0xE790] =	vst v4;
	v4 =	vld [tilespmem:s25+$0x6820]  }
0xbe: {  	[tilespmem:s25+$0xE7A0] =	vst v0;
	v0 =	vld [tilespmem:s25+$0x6830]  }
0xbf: {  	[tilespmem:s25+$0xE7B0] =	vst v1;
	v1 =	vld [tilespmem:s25+$0x6880]  }
0xc0: {  	[tilespmem:s25+$0xE800] =	vst v2;
	v2 =	vld [tilespmem:s25+$0x6890]  }
0xc1: {  	[tilespmem:s25+$0xE810] =	vst v3;
	v3 =	vld [tilespmem:s25+$0x68A0]  }
0xc2: {  	[tilespmem:s25+$0xE820] =	vst v4;
	v4 =	vld [tilespmem:s25+$0x68B0]  }
0xc3: {  	[tilespmem:s25+$0xE830] =	vst v0;
	v0 =	vld [tilespmem:s25+$0x6900]  }
0xc4: {  	[tilespmem:s25+$0xE880] =	vst v1;
	v1 =	vld [tilespmem:s25+$0x6910]  }
0xc5: {  	[tilespmem:s25+$0xE890] =	vst v2;
	v2 =	vld [tilespmem:s25+$0x6920]  }
0xc6: {  	[tilespmem:s25+$0xE8A0] =	vst v3;
	v3 =	vld [tilespmem:s25+$0x6930]  }
0xc7: {  	[tilespmem:s25+$0xE8B0] =	vst v4;
	v4 =	vld [tilespmem:s25+$0x6980]  }
0xc8: {  	[tilespmem:s25+$0xE900] =	vst v0;
	v0 =	vld [tilespmem:s25+$0x6990]  }
0xc9: {  	[tilespmem:s25+$0xE910] =	vst v1;
	v1 =	vld [tilespmem:s25+$0x69A0]  }
0xca: {  	[tilespmem:s25+$0xE920] =	vst v2;
	v2 =	vld [tilespmem:s25+$0x69B0]  }
0xcb: {  	[tilespmem:s25+$0xE930] =	vst v3;
	v3 =	vld [tilespmem:s25+$0x6A00]  }
0xcc: {  	[tilespmem:s25+$0xE980] =	vst v4;
	v4 =	vld [tilespmem:s25+$0x6A10]  }
0xcd: {  	[tilespmem:s25+$0xE990] =	vst v0;
	v0 =	vld [tilespmem:s25+$0x6A20]  }
0xce: {  	[tilespmem:s25+$0xE9A0] =	vst v1;
	v1 =	vld [tilespmem:s25+$0x6A30]  }
0xcf: {  	[tilespmem:s25+$0xE9B0] =	vst v2;
	v2 =	vld [tilespmem:s25+$0x6A80]  }
0xd0: {  	[tilespmem:s25+$0xEA00] =	vst v3;
	v3 =	vld [tilespmem:s25+$0x6A90]  }
0xd1: {  	[tilespmem:s25+$0xEA10] =	vst v4;
	v4 =	vld [tilespmem:s25+$0x6AA0]  }
0xd2: {  	[tilespmem:s25+$0xEA20] =	vst v0;
	v0 =	vld [tilespmem:s25+$0x6AB0]  }
0xd3: {  	[tilespmem:s25+$0xEA30] =	vst v1;
	v1 =	vld [tilespmem:s25+$0x6B00]  }
0xd4: {  	[tilespmem:s25+$0xEA80] =	vst v2;
	v2 =	vld [tilespmem:s25+$0x6B10]  }
0xd5: {  	[tilespmem:s25+$0xEA90] =	vst v3;
	v3 =	vld [tilespmem:s25+$0x6B20]  }
0xd6: {  	[tilespmem:s25+$0xEAA0] =	vst v4;
	v4 =	vld [tilespmem:s25+$0x6B30]  }
0xd7: {  	[tilespmem:s25+$0xEAB0] =	vst v0;
	v0 =	vld [tilespmem:s25+$0x6B80]  }
0xd8: {  	[tilespmem:s25+$0xEB00] =	vst v1;
	v1 =	vld [tilespmem:s25+$0x6B90]  }
0xd9: {  	[tilespmem:s25+$0xEB10] =	vst v2;
	v2 =	vld [tilespmem:s25+$0x6BA0]  }
0xda: {  	[tilespmem:s25+$0xEB20] =	vst v3  }
0xdb: {  	s31 =	sshll.u32 s20, $0xF;
	[tilespmem:s25+$0xEB30] =	vst v4  }
0xdc: {  	s23 =	sadd.s32 s7, s31;
	[tilespmem:s25+$0xEB80] =	vst v0  }
0xdd: {  	s22 =	smin.u32 s22, $0xC5;
	s23 =	sshrl.u32 s23, $0x3;
	[tilespmem:s25+$0xEB90] =	vst v1  }
0xde: {  	s22 =	sshll.u32 s22, $0x7;
	s23 =	sadd.s32 s5, s23;
	[tilespmem:s25+$0xEBA0] =	vst v2  }
0xdf: {  	[hbm4b:s23+s2] =	stream.linear.scatter [tilespmem:s14], [sflag:$0x3], $0x4000, $0x38;
	[tilespmem:$0x16400] =	vst v63  }
0xe0: {  	s22 =	sadd.s32 $0x100, s22  }
0xe1: {  	[tilespmem:s11], [sflag:$0x1] =	stream.indirect.gather [hbm4b:s4+s10], $0x80, s22, s10, $0xb8;
	[tilespmem:$0x16400] =	vst v63  }
0xe2: {  	_ =	swait.ge [sflag:s15], $0x4000  }
0xe3: {  	[sflag:s15] =	ssyncset.done $0x0  }
0xe4: {  	s22 =	simm.s32 @!p0 $0x4;
	[sflag:s15] =	ssyncadd.s32 $0xFFFFC000  }
0xe5: {  	_ =	swait.ge @!p0 [sflag:s22], $0x4000  }
0xe6: {  	[sflag:s22] =	ssyncset.done @!p0 $0x0  }
0xe7: {  	[sflag:s22] =	ssyncadd.s32 @!p0 $0xFFFFC000;
	s22 =	simm.s32 $0x0  }
0xe8: {  	v0 =	vld [tilespmem:s22+$0xABB0]  }
0xe9: {  	v1 =	vld [tilespmem:s22+$0xA400]  }
0xea: {  	v2 =	vld [tilespmem:s22+$0xA410]  }
0xeb: {  	v3 =	vld [tilespmem:s22+$0xA420]  }
0xec: {  	v4 =	vld [tilespmem:s22+$0xA430]  }
0xed: {  	v5 =	vld [tilespmem:s22+$0xA480];
	[tilespmem:s22+$0x12BB0] =	vst v0  }
0xee: {  	v6 =	vld [tilespmem:s22+$0xAB00];
	[tilespmem:s22+$0x12400] =	vst v1  }
0xef: {  	v7 =	vld [tilespmem:s22+$0xAB10];
	[tilespmem:s22+$0x12410] =	vst v2  }
0xf0: {  	v0 =	vld [tilespmem:s22+$0xA490];
	[tilespmem:s22+$0x12420] =	vst v3  }
0xf1: {  	v1 =	vld [tilespmem:s22+$0xA4A0];
	[tilespmem:s22+$0x12430] =	vst v4  }
0xf2: {  	v2 =	vld [tilespmem:s22+$0xA4B0];
	[tilespmem:s22+$0x12480] =	vst v5  }
0xf3: {  	v3 =	vld [tilespmem:s22+$0xA500];
	[tilespmem:s22+$0x12B00] =	vst v6  }
0xf4: {  	v4 =	vld [tilespmem:s22+$0xA510];
	[tilespmem:s22+$0x12B10] =	vst v7  }
0xf5: {  	v5 =	vld [tilespmem:s22+$0xAAB0];
	[tilespmem:s22+$0x12490] =	vst v0  }
0xf6: {  	v0 =	vld [tilespmem:s22+$0xA520];
	[tilespmem:s22+$0x124A0] =	vst v1  }
0xf7: {  	v1 =	vld [tilespmem:s22+$0xA530];
	[tilespmem:s22+$0x124B0] =	vst v2  }
0xf8: {  	v2 =	vld [tilespmem:s22+$0xA580];
	[tilespmem:s22+$0x12500] =	vst v3  }
0xf9: {  	v3 =	vld [tilespmem:s22+$0xA590];
	[tilespmem:s22+$0x12510] =	vst v4  }
0xfa: {  	v4 =	vld [tilespmem:s22+$0xA5A0];
	[tilespmem:s22+$0x12AB0] =	vst v5  }
0xfb: {  	[tilespmem:s22+$0x12520] =	vst v0;
	v0 =	vld [tilespmem:s22+$0xA5B0]  }
0xfc: {  	[tilespmem:s22+$0x12530] =	vst v1;
	v1 =	vld [tilespmem:s22+$0xA600]  }
0xfd: {  	[tilespmem:s22+$0x12580] =	vst v2;
	v2 =	vld [tilespmem:s22+$0xA610]  }
0xfe: {  	[tilespmem:s22+$0x12590] =	vst v3;
	v3 =	vld [tilespmem:s22+$0xA620]  }
0xff: {  	[tilespmem:s22+$0x125A0] =	vst v4;
	v4 =	vld [tilespmem:s22+$0xA630]  }
0x100: {  	[tilespmem:s22+$0x125B0] =	vst v0;
	v0 =	vld [tilespmem:s22+$0xA680]  }
0x101: {  	[tilespmem:s22+$0x12600] =	vst v1;
	v1 =	vld [tilespmem:s22+$0xA690]  }
0x102: {  	[tilespmem:s22+$0x12610] =	vst v2;
	v2 =	vld [tilespmem:s22+$0xA6A0]  }
0x103: {  	[tilespmem:s22+$0x12620] =	vst v3;
	v3 =	vld [tilespmem:s22+$0xA6B0]  }
0x104: {  	[tilespmem:s22+$0x12630] =	vst v4;
	v4 =	vld [tilespmem:s22+$0xA700]  }
0x105: {  	[tilespmem:s22+$0x12680] =	vst v0;
	v0 =	vld [tilespmem:s22+$0xA710]  }
0x106: {  	[tilespmem:s22+$0x12690] =	vst v1;
	v1 =	vld [tilespmem:s22+$0xA720]  }
0x107: {  	[tilespmem:s22+$0x126A0] =	vst v2;
	v2 =	vld [tilespmem:s22+$0xA730]  }
0x108: {  	[tilespmem:s22+$0x126B0] =	vst v3;
	v3 =	vld [tilespmem:s22+$0xA780]  }
0x109: {  	[tilespmem:s22+$0x12700] =	vst v4;
	v4 =	vld [tilespmem:s22+$0xA790]  }
0x10a: {  	[tilespmem:s22+$0x12710] =	vst v0;
	v0 =	vld [tilespmem:s22+$0xA7A0]  }
0x10b: {  	[tilespmem:s22+$0x12720] =	vst v1;
	v1 =	vld [tilespmem:s22+$0xA7B0]  }
0x10c: {  	[tilespmem:s22+$0x12730] =	vst v2;
	v2 =	vld [tilespmem:s22+$0xA800]  }
0x10d: {  	[tilespmem:s22+$0x12780] =	vst v3;
	v3 =	vld [tilespmem:s22+$0xA810]  }
0x10e: {  	[tilespmem:s22+$0x12790] =	vst v4;
	v4 =	vld [tilespmem:s22+$0xA820]  }
0x10f: {  	[tilespmem:s22+$0x127A0] =	vst v0;
	v0 =	vld [tilespmem:s22+$0xA830]  }
0x110: {  	[tilespmem:s22+$0x127B0] =	vst v1;
	v1 =	vld [tilespmem:s22+$0xA880]  }
0x111: {  	[tilespmem:s22+$0x12800] =	vst v2;
	v2 =	vld [tilespmem:s22+$0xA890]  }
0x112: {  	[tilespmem:s22+$0x12810] =	vst v3;
	v3 =	vld [tilespmem:s22+$0xA8A0]  }
0x113: {  	[tilespmem:s22+$0x12820] =	vst v4;
	v4 =	vld [tilespmem:s22+$0xA8B0]  }
0x114: {  	[tilespmem:s22+$0x12830] =	vst v0;
	v0 =	vld [tilespmem:s22+$0xA900]  }
0x115: {  	[tilespmem:s22+$0x12880] =	vst v1;
	v1 =	vld [tilespmem:s22+$0xA910]  }
0x116: {  	[tilespmem:s22+$0x12890] =	vst v2;
	v2 =	vld [tilespmem:s22+$0xA920]  }
0x117: {  	[tilespmem:s22+$0x128A0] =	vst v3;
	v3 =	vld [tilespmem:s22+$0xA930]  }
0x118: {  	[tilespmem:s22+$0x128B0] =	vst v4;
	v4 =	vld [tilespmem:s22+$0xA980]  }
0x119: {  	[tilespmem:s22+$0x12900] =	vst v0;
	v0 =	vld [tilespmem:s22+$0xA990]  }
0x11a: {  	[tilespmem:s22+$0x12910] =	vst v1;
	v1 =	vld [tilespmem:s22+$0xA9A0]  }
0x11b: {  	[tilespmem:s22+$0x12920] =	vst v2;
	v2 =	vld [tilespmem:s22+$0xA9B0]  }
0x11c: {  	[tilespmem:s22+$0x12930] =	vst v3;
	v3 =	vld [tilespmem:s22+$0xAA00]  }
0x11d: {  	[tilespmem:s22+$0x12980] =	vst v4;
	v4 =	vld [tilespmem:s22+$0xAA10]  }
0x11e: {  	[tilespmem:s22+$0x12990] =	vst v0;
	v0 =	vld [tilespmem:s22+$0xAA20]  }
0x11f: {  	[tilespmem:s22+$0x129A0] =	vst v1;
	v1 =	vld [tilespmem:s22+$0xAA30]  }
0x120: {  	[tilespmem:s22+$0x129B0] =	vst v2;
	v2 =	vld [tilespmem:s22+$0xAA80]  }
0x121: {  	[tilespmem:s22+$0x12A00] =	vst v3;
	v3 =	vld [tilespmem:s22+$0xAA90]  }
0x122: {  	[tilespmem:s22+$0x12A10] =	vst v4;
	v4 =	vld [tilespmem:s22+$0xAAA0]  }
0x123: {  	[tilespmem:s22+$0x12A20] =	vst v0;
	v0 =	vld [tilespmem:s22+$0xAB20]  }
0x124: {  	[tilespmem:s22+$0x12A30] =	vst v1;
	v1 =	vld [tilespmem:s22+$0xAB30]  }
0x125: {  	[tilespmem:s22+$0x12A80] =	vst v2;
	v2 =	vld [tilespmem:s22+$0xAB80]  }
0x126: {  	[tilespmem:s22+$0x12A90] =	vst v3;
	v3 =	vld [tilespmem:s22+$0xAB90]  }
0x127: {  	s24 =	simm.s32 $0x800;
	s23 =	simm.s32 $0x4000;
	[tilespmem:s22+$0x12AA0] =	vst v4;
	v4 =	vld [tilespmem:s22+$0xABA0]  }
.LBB2_5:
0x128: {  	p0 =	sne.s32 s23, $0xE000;
	v5 =	vld [tilespmem:s24+$0xABB0];
	[tilespmem:s22+$0x12B20] =	vst v0  }
0x129: {  	v0 =	vld [tilespmem:s24+$0xA400];
	[tilespmem:s22+$0x12B30] =	vst v1  }
0x12a: {  	v1 =	vld [tilespmem:s24+$0xA410];
	[tilespmem:s22+$0x12B80] =	vst v2  }
0x12b: {  	v2 =	vld [tilespmem:s24+$0xA420];
	[tilespmem:s22+$0x12B90] =	vst v3  }
0x12c: {  	v3 =	vld [tilespmem:s24+$0xA430];
	[tilespmem:s22+$0x12BA0] =	vst v4;
	s22 =	smov.u32 s24  }
0x12d: {  	v4 =	vld [tilespmem:s22+$0xA480];
	[tilespmem:s22+$0x12BB0] =	vst v5  }
0x12e: {  	[tilespmem:s22+$0x12400] =	vst v0;
	v0 =	vld [tilespmem:s22+$0xA490]  }
0x12f: {  	[tilespmem:s22+$0x12410] =	vst v1;
	v1 =	vld [tilespmem:s22+$0xA4A0]  }
0x130: {  	[tilespmem:s22+$0x12420] =	vst v2;
	v2 =	vld [tilespmem:s22+$0xA4B0]  }
0x131: {  	[tilespmem:s22+$0x12430] =	vst v3;
	v3 =	vld [tilespmem:s22+$0xA500]  }
0x132: {  	[tilespmem:s22+$0x12480] =	vst v4;
	v4 =	vld [tilespmem:s22+$0xA510]  }
0x133: {  	[tilespmem:s22+$0x12490] =	vst v0;
	v0 =	vld [tilespmem:s22+$0xA520]  }
0x134: {  	[tilespmem:s22+$0x124A0] =	vst v1;
	v1 =	vld [tilespmem:s22+$0xA530]  }
0x135: {  	[tilespmem:s22+$0x124B0] =	vst v2;
	v2 =	vld [tilespmem:s22+$0xA580]  }
0x136: {  	[tilespmem:s22+$0x12500] =	vst v3;
	v3 =	vld [tilespmem:s22+$0xA590]  }
0x137: {  	[tilespmem:s22+$0x12510] =	vst v4;
	v4 =	vld [tilespmem:s22+$0xA5A0]  }
0x138: {  	[tilespmem:s22+$0x12520] =	vst v0;
	v0 =	vld [tilespmem:s22+$0xA5B0]  }
0x139: {  	[tilespmem:s22+$0x12530] =	vst v1;
	v1 =	vld [tilespmem:s22+$0xA600]  }
0x13a: {  	[tilespmem:s22+$0x12580] =	vst v2;
	v2 =	vld [tilespmem:s22+$0xA610]  }
0x13b: {  	[tilespmem:s22+$0x12590] =	vst v3;
	v3 =	vld [tilespmem:s22+$0xA620]  }
0x13c: {  	[tilespmem:s22+$0x125A0] =	vst v4;
	v4 =	vld [tilespmem:s22+$0xA630]  }
0x13d: {  	[tilespmem:s22+$0x125B0] =	vst v0;
	v0 =	vld [tilespmem:s22+$0xA680]  }
0x13e: {  	[tilespmem:s22+$0x12600] =	vst v1;
	v1 =	vld [tilespmem:s22+$0xA690]  }
0x13f: {  	[tilespmem:s22+$0x12610] =	vst v2;
	v2 =	vld [tilespmem:s22+$0xA6A0]  }
0x140: {  	[tilespmem:s22+$0x12620] =	vst v3;
	v3 =	vld [tilespmem:s22+$0xA6B0]  }
0x141: {  	[tilespmem:s22+$0x12630] =	vst v4;
	v4 =	vld [tilespmem:s22+$0xA700]  }
0x142: {  	[tilespmem:s22+$0x12680] =	vst v0;
	v0 =	vld [tilespmem:s22+$0xA710]  }
0x143: {  	[tilespmem:s22+$0x12690] =	vst v1;
	v1 =	vld [tilespmem:s22+$0xA720]  }
0x144: {  	[tilespmem:s22+$0x126A0] =	vst v2;
	v2 =	vld [tilespmem:s22+$0xA730]  }
0x145: {  	[tilespmem:s22+$0x126B0] =	vst v3;
	v3 =	vld [tilespmem:s22+$0xA780]  }
0x146: {  	[tilespmem:s22+$0x12700] =	vst v4;
	v4 =	vld [tilespmem:s22+$0xA790]  }
0x147: {  	[tilespmem:s22+$0x12710] =	vst v0;
	v0 =	vld [tilespmem:s22+$0xA7A0]  }
0x148: {  	[tilespmem:s22+$0x12720] =	vst v1;
	v1 =	vld [tilespmem:s22+$0xA7B0]  }
0x149: {  	[tilespmem:s22+$0x12730] =	vst v2;
	v2 =	vld [tilespmem:s22+$0xA800]  }
0x14a: {  	[tilespmem:s22+$0x12780] =	vst v3;
	v3 =	vld [tilespmem:s22+$0xA810]  }
0x14b: {  	[tilespmem:s22+$0x12790] =	vst v4;
	v4 =	vld [tilespmem:s22+$0xA820]  }
0x14c: {  	[tilespmem:s22+$0x127A0] =	vst v0;
	v0 =	vld [tilespmem:s22+$0xA830]  }
0x14d: {  	[tilespmem:s22+$0x127B0] =	vst v1;
	v1 =	vld [tilespmem:s22+$0xA880]  }
0x14e: {  	[tilespmem:s22+$0x12800] =	vst v2;
	v2 =	vld [tilespmem:s22+$0xA890]  }
0x14f: {  	[tilespmem:s22+$0x12810] =	vst v3;
	v3 =	vld [tilespmem:s22+$0xA8A0]  }
0x150: {  	[tilespmem:s22+$0x12820] =	vst v4;
	v4 =	vld [tilespmem:s22+$0xA8B0]  }
0x151: {  	[tilespmem:s22+$0x12830] =	vst v0;
	v0 =	vld [tilespmem:s22+$0xA900]  }
0x152: {  	[tilespmem:s22+$0x12880] =	vst v1;
	v1 =	vld [tilespmem:s22+$0xA910]  }
0x153: {  	[tilespmem:s22+$0x12890] =	vst v2;
	v2 =	vld [tilespmem:s22+$0xA920]  }
0x154: {  	[tilespmem:s22+$0x128A0] =	vst v3;
	v3 =	vld [tilespmem:s22+$0xA930]  }
0x155: {  	[tilespmem:s22+$0x128B0] =	vst v4;
	v4 =	vld [tilespmem:s22+$0xA980]  }
0x156: {  	[tilespmem:s22+$0x12900] =	vst v0;
	v0 =	vld [tilespmem:s22+$0xA990]  }
0x157: {  	[tilespmem:s22+$0x12910] =	vst v1;
	v1 =	vld [tilespmem:s22+$0xA9A0]  }
0x158: {  	[tilespmem:s22+$0x12920] =	vst v2;
	v2 =	vld [tilespmem:s22+$0xA9B0]  }
0x159: {  	[tilespmem:s22+$0x12930] =	vst v3;
	v3 =	vld [tilespmem:s22+$0xAA00]  }
0x15a: {  	[tilespmem:s22+$0x12980] =	vst v4;
	v4 =	vld [tilespmem:s22+$0xAA10]  }
0x15b: {  	[tilespmem:s22+$0x12990] =	vst v0;
	v0 =	vld [tilespmem:s22+$0xAA20]  }
0x15c: {  	[tilespmem:s22+$0x129A0] =	vst v1;
	v1 =	vld [tilespmem:s22+$0xAA30]  }
0x15d: {  	[tilespmem:s22+$0x129B0] =	vst v2;
	v2 =	vld [tilespmem:s22+$0xAA80]  }
0x15e: {  	[tilespmem:s22+$0x12A00] =	vst v3;
	v3 =	vld [tilespmem:s22+$0xAA90]  }
0x15f: {  	[tilespmem:s22+$0x12A10] =	vst v4;
	v4 =	vld [tilespmem:s22+$0xAAA0]  }
0x160: {  	[tilespmem:s22+$0x12A20] =	vst v0;
	v5 =	vld [tilespmem:s22+$0xAAB0]  }
0x161: {  	[tilespmem:s22+$0x12A30] =	vst v1;
	v6 =	vld [tilespmem:s22+$0xAB00]  }
0x162: {  	[tilespmem:s22+$0x12A80] =	vst v2;
	v7 =	vld [tilespmem:s22+$0xAB10]  }
.Ltmp1:
0x163: {  	[tilespmem:s22+$0x12A90] =	vst v3;
	v0 =	vld [tilespmem:s22+$0xAB20];
	(pc) =	sbr.rel @p0 .LBB2_5-.Ltmp1, $4  }
0x164: {  	[tilespmem:s22+$0x12AA0] =	vst v4;
	v1 =	vld [tilespmem:s22+$0xAB30]  }
0x165: {  	[tilespmem:s22+$0x12AB0] =	vst v5;
	v2 =	vld [tilespmem:s22+$0xAB80]  }
0x166: {  	[tilespmem:s22+$0x12B00] =	vst v6;
	v3 =	vld [tilespmem:s22+$0xAB90]  }
0x167: {  	s24 =	sshra.s32 s23, $0x2;
	s23 =	sadd.s32 $0x2000, s23;
	[tilespmem:s22+$0x12B10] =	vst v7;
	v4 =	vld [tilespmem:s22+$0xABA0]  }
0x168: {  	v5 =	vld [tilespmem:s24+$0xABB0];
	[tilespmem:s22+$0x12B20] =	vst v0  }
0x169: {  	v0 =	vld [tilespmem:s24+$0xA400];
	[tilespmem:s22+$0x12B30] =	vst v1  }
0x16a: {  	v1 =	vld [tilespmem:s24+$0xA410];
	[tilespmem:s22+$0x12B80] =	vst v2  }
0x16b: {  	v2 =	vld [tilespmem:s24+$0xA420];
	[tilespmem:s22+$0x12B90] =	vst v3  }
0x16c: {  	v3 =	vld [tilespmem:s24+$0xA430];
	[tilespmem:s22+$0x12BA0] =	vst v4  }
0x16d: {  	v4 =	vld [tilespmem:s24+$0xA480];
	[tilespmem:s24+$0x12BB0] =	vst v5  }
0x16e: {  	v62 =	vld [tilespmem:s24+$0xA490];
	[tilespmem:s24+$0x12400] =	vst v0  }
0x16f: {  	v63 =	vld [tilespmem:s24+$0xA4A0];
	[tilespmem:s24+$0x12410] =	vst v1  }
0x170: {  	v8 =	vld [tilespmem:s24+$0xA4B0];
	[tilespmem:s24+$0x12420] =	vst v2  }
0x171: {  	v9 =	vld [tilespmem:s24+$0xA500];
	[tilespmem:s24+$0x12430] =	vst v3  }
0x172: {  	v10 =	vld [tilespmem:s24+$0xA510];
	[tilespmem:s24+$0x12480] =	vst v4  }
0x173: {  	v11 =	vld [tilespmem:s24+$0xA520];
	[tilespmem:s24+$0x12490] =	vst v62  }
0x174: {  	v12 =	vld [tilespmem:s24+$0xA530];
	[tilespmem:s24+$0x124A0] =	vst v63  }
0x175: {  	v13 =	vld [tilespmem:s24+$0xA580];
	[tilespmem:s24+$0x124B0] =	vst v8  }
0x176: {  	v14 =	vld [tilespmem:s24+$0xA590];
	[tilespmem:s24+$0x12500] =	vst v9  }
0x177: {  	v15 =	vld [tilespmem:s24+$0xA5A0];
	[tilespmem:s24+$0x12510] =	vst v10  }
0x178: {  	v16 =	vld [tilespmem:s24+$0xA5B0];
	[tilespmem:s24+$0x12520] =	vst v11  }
0x179: {  	v17 =	vld [tilespmem:s24+$0xA600];
	[tilespmem:s24+$0x12530] =	vst v12  }
0x17a: {  	v18 =	vld [tilespmem:s24+$0xA610];
	[tilespmem:s24+$0x12580] =	vst v13  }
0x17b: {  	v19 =	vld [tilespmem:s24+$0xA620];
	[tilespmem:s24+$0x12590] =	vst v14  }
0x17c: {  	v20 =	vld [tilespmem:s24+$0xA630];
	[tilespmem:s24+$0x125A0] =	vst v15  }
0x17d: {  	v21 =	vld [tilespmem:s24+$0xA680];
	[tilespmem:s24+$0x125B0] =	vst v16  }
0x17e: {  	v22 =	vld [tilespmem:s24+$0xA690];
	[tilespmem:s24+$0x12600] =	vst v17  }
0x17f: {  	v23 =	vld [tilespmem:s24+$0xA6A0];
	[tilespmem:s24+$0x12610] =	vst v18  }
0x180: {  	v24 =	vld [tilespmem:s24+$0xA6B0];
	[tilespmem:s24+$0x12620] =	vst v19  }
0x181: {  	v25 =	vld [tilespmem:s24+$0xA700];
	[tilespmem:s24+$0x12630] =	vst v20  }
0x182: {  	v26 =	vld [tilespmem:s24+$0xA710];
	[tilespmem:s24+$0x12680] =	vst v21  }
0x183: {  	v27 =	vld [tilespmem:s24+$0xA720];
	[tilespmem:s24+$0x12690] =	vst v22  }
0x184: {  	v28 =	vld [tilespmem:s24+$0xA730];
	[tilespmem:s24+$0x126A0] =	vst v23  }
0x185: {  	v29 =	vld [tilespmem:s24+$0xA780];
	[tilespmem:s24+$0x126B0] =	vst v24  }
0x186: {  	v30 =	vld [tilespmem:s24+$0xA790];
	[tilespmem:s24+$0x12700] =	vst v25  }
0x187: {  	v31 =	vld [tilespmem:s24+$0xA7A0];
	[tilespmem:s24+$0x12710] =	vst v26  }
0x188: {  	v32 =	vld [tilespmem:s24+$0xA7B0];
	[tilespmem:s24+$0x12720] =	vst v27  }
0x189: {  	v33 =	vld [tilespmem:s24+$0xA800];
	[tilespmem:s24+$0x12730] =	vst v28  }
0x18a: {  	v34 =	vld [tilespmem:s24+$0xA810];
	[tilespmem:s24+$0x12780] =	vst v29  }
0x18b: {  	v35 =	vld [tilespmem:s24+$0xA820];
	[tilespmem:s24+$0x12790] =	vst v30  }
0x18c: {  	v36 =	vld [tilespmem:s24+$0xA830];
	[tilespmem:s24+$0x127A0] =	vst v31  }
0x18d: {  	v37 =	vld [tilespmem:s24+$0xA880];
	[tilespmem:s24+$0x127B0] =	vst v32  }
0x18e: {  	v38 =	vld [tilespmem:s24+$0xA890];
	[tilespmem:s24+$0x12800] =	vst v33  }
0x18f: {  	v39 =	vld [tilespmem:s24+$0xA8A0];
	[tilespmem:s24+$0x12810] =	vst v34  }
0x190: {  	v40 =	vld [tilespmem:s24+$0xA8B0];
	[tilespmem:s24+$0x12820] =	vst v35  }
0x191: {  	v41 =	vld [tilespmem:s24+$0xA900];
	[tilespmem:s24+$0x12830] =	vst v36  }
0x192: {  	v42 =	vld [tilespmem:s24+$0xA910];
	[tilespmem:s24+$0x12880] =	vst v37  }
0x193: {  	v43 =	vld [tilespmem:s24+$0xA920];
	[tilespmem:s24+$0x12890] =	vst v38  }
0x194: {  	v44 =	vld [tilespmem:s24+$0xA930];
	[tilespmem:s24+$0x128A0] =	vst v39  }
0x195: {  	v45 =	vld [tilespmem:s24+$0xA980];
	[tilespmem:s24+$0x128B0] =	vst v40  }
0x196: {  	v46 =	vld [tilespmem:s24+$0xA990];
	[tilespmem:s24+$0x12900] =	vst v41  }
0x197: {  	v47 =	vld [tilespmem:s24+$0xA9A0];
	[tilespmem:s24+$0x12910] =	vst v42  }
0x198: {  	v48 =	vld [tilespmem:s24+$0xA9B0];
	[tilespmem:s24+$0x12920] =	vst v43  }
0x199: {  	v49 =	vld [tilespmem:s24+$0xAA00];
	[tilespmem:s24+$0x12930] =	vst v44  }
0x19a: {  	v50 =	vld [tilespmem:s24+$0xAA10];
	[tilespmem:s24+$0x12980] =	vst v45  }
0x19b: {  	v51 =	vld [tilespmem:s24+$0xAA20];
	[tilespmem:s24+$0x12990] =	vst v46  }
0x19c: {  	v52 =	vld [tilespmem:s24+$0xAA30];
	[tilespmem:s24+$0x129A0] =	vst v47  }
0x19d: {  	v53 =	vld [tilespmem:s24+$0xAA80];
	[tilespmem:s24+$0x129B0] =	vst v48  }
0x19e: {  	v54 =	vld [tilespmem:s24+$0xAA90];
	[tilespmem:s24+$0x12A00] =	vst v49  }
0x19f: {  	v55 =	vld [tilespmem:s24+$0xAAA0];
	[tilespmem:s24+$0x12A10] =	vst v50  }
0x1a0: {  	v56 =	vld [tilespmem:s24+$0xAAB0];
	[tilespmem:s24+$0x12A20] =	vst v51  }
0x1a1: {  	v57 =	vld [tilespmem:s24+$0xAB00];
	[tilespmem:s24+$0x12A30] =	vst v52  }
0x1a2: {  	v58 =	vld [tilespmem:s24+$0xAB10];
	[tilespmem:s24+$0x12A80] =	vst v53  }
0x1a3: {  	v59 =	vld [tilespmem:s24+$0xAB20];
	[tilespmem:s24+$0x12A90] =	vst v54  }
0x1a4: {  	v60 =	vld [tilespmem:s24+$0xAB30];
	[tilespmem:s24+$0x12AA0] =	vst v55  }
0x1a5: {  	v61 =	vld [tilespmem:s24+$0xAB80];
	[tilespmem:s24+$0x12AB0] =	vst v56  }
0x1a6: {  	[tilespmem:s24+$0x12B00] =	vst v57;
	v62 =	vld [tilespmem:s24+$0xAB90]  }
0x1a7: {  	s20 =	sadd.s32 $0x1, s20;
	[tilespmem:s24+$0x12B10] =	vst v58;
	v63 =	vld [tilespmem:s24+$0xABA0]  }
0x1a8: {  	p0 =	sne.s32 s20, $0x64;
	[tilespmem:s24+$0x12B20] =	vst v59  }
.Ltmp2:
0x1a9: {  	[tilespmem:s24+$0x12B30] =	vst v60;
	(pc) =	sbr.rel @p0 .LBB2_2-.Ltmp2, $4  }
0x1aa: {  	s21 =	sadd.s32 s3, s21;
	[tilespmem:s24+$0x12B80] =	vst v61  }
0x1ab: {  	s21 =	sshll.u32 s21, $0x4;
	[tilespmem:s24+$0x12B90] =	vst v62  }
0x1ac: {  	s21 =	sadd.s32 s5, s21;
	[tilespmem:s24+$0x12BA0] =	vst v63  }
0x1ad: {  	[hbm4b:s21+s2] =	stream.linear.scatter [tilespmem:s16], [sflag:$0x4], $0x4000, $0x38;
	[tilespmem:$0x16400] =	vst v63  }
0x1ae: {  	_ =	swait.ge [sflag:s13], $0x4000  }
0x1af: {  	[sflag:s13] =	ssyncset.done $0x0  }
0x1b0: {  	s19 =	sadd.s32 $0x1, s19;
	[sflag:s13] =	ssyncadd.s32 $0xFFFFC000  }
0x1b1: {  	p0 =	sne.s32 s19, s8;
	_ =	swait.ge [sflag:s17], $0x4000  }
.Ltmp3:
0x1b2: {  	[sflag:s17] =	ssyncset.done $0x0;
	(pc) =	sbr.rel @p0 .LBB2_1-.Ltmp3, $4  }
0x1b3: {  	[sflag:s17] =	ssyncadd.s32 $0xFFFFC000  }
0x1b4: {  	_ =	swait.ge [sflag:s18], $0x4000  }
0x1b5: {  	[sflag:s18] =	ssyncset.done $0x0  }
0x1b6: {  	[sflag:s18] =	ssyncadd.s32 $0xFFFFC000  }
0x1b7: {  	_ =	sfence.sel $0x180000  }
0x1b8: {  	[bflag:$0x0] =	sbarrier.arrive $0xFFFF  }
0x1b9: {  	p0 =	sne.s32 s0, $0x0;
	_ =	strace $0x90000047  }
0x1ba: {  	s0 =	sadd.s32 @!p0 $0x100000, s1;
	[bflag:$0x2] =	sbarrier.arrive $0xFFFF  }
0x1bb: {  	[sflag:s0] =	ssyncadd.tile.s32 @!p0 $0x1;
	_ =	shalt  }
.Lfunc_end2:
_tile_overlayer_lowered:
.L_overlay_start_2:
0x1bc: {  	(tag) =	ssettag $0x2  }
0x1bd: {  	s0 =	rddreg [dreg:$0x0];
	s2 =	stileid.u32  }
0x1be: {  	s1 =	rddreg [dreg:$0x1];
	p0 =	sne.s32 s2, $0x0  }
0x1bf: {  	s3 =	rddreg [dreg:$0x2];
	[bflag:$0x3] =	sbarrier.arrive $0xFFFF;
	s2 =	simm.s32 @!p0 $0x1C05  }
0x1c0: {  	[timem:s3], [sflag:s2] =	dma.local @!p0 [hbm:s0], s1  }
0x1c1: {  	s0 =	simm.s32 @!p0 $0x5  }
0x1c2: {  	_ =	swait.ge @!p0 [sflag:s0], s1  }
0x1c3: {  	s1 =	ssub.s32 @!p0 $0x0, s1;
	[sflag:s0] =	ssyncset.done @!p0 $0x0  }
0x1c4: {  	[sflag:s0] =	ssyncadd.s32 @!p0 s1  }
0x1c5: {  	[bflag:$0x3] =	sbarrier.arrive $0xFFFF  }
0x1c6: {  	_ =	shalt  }

// kernel: sparse-core-data-format-call.cloned.1.call-start
scs
called_computation_lowered:
.L_overlay_start_0:
0x0: {  	s2 =	sld [smem:$0x3FD9]  }
0x1: {  	s3 =	sld [smem:$0x3FFE];
	_ =	sdelay $0x1  }
0x2: {  	s1 =	srdreg.scid  }
0x3: {  	s0 =	sand.u32 $0x1, s1  }
0x4: {  	s18 =	sshll.u32 s0, $0xA;
	s2 =	sadd.s32 s3, s2  }
0x5: {  	s2 =	sadd.s32 s2, s18  }
0x6: {  	[smem:$0x3FC6] =	sst s2  }
0x7: {  	_ = 	snop  }
0x8: {  	s2 =	sld [smem:$0x3FD0];
	(tm) =	ssettm $0x1  }
0x9: {  	s19 =	sld [smem:$0x3FFB];
	_ =	sdelay $0x3  }
0xa: {  	_ =	strace s19  }
0xb: {  	s3 =	sld [smem:$0x3FFC];
	_ =	sdelay $0x3  }
0xc: {  	_ =	strace s3  }
0xd: {  	s3 =	sld [smem:$0x3FFD];
	_ =	sdelay $0x3  }
0xe: {  	_ =	strace s3  }
0xf: {  	_ =	strace $0x8FFFFFFF  }
0x10: {  	s20 =	sld [smem:$0x3FDB];
	_ =	sdelay $0x1  }
0x11: {  	s4 =	simm.s32 $_scs_section_size  }
0x12: {  	s5 =	simm.s32 $_size__tile_overlayer_lowered;
	s6 =	simm.s32 $_tile_overlayer_lowered  }
0x13: {  	s23 =	simm.s32 $0x1BFF;
	s22 =	sshll.u32 s6, $0x1;
	s3 =	sadd.s32 s4, s20  }
0x14: {  	s7 =	simm.s32 $0x0;
	s21 =	sshll.u32 s5, $0x1;
	s5 =	sadd.s32 s22, s3  }
0x15: {  	[timem:s7], [sflag:s23] =	dma.local [hbm:s5], s21  }
0x16: {  	_ =	swait.ge [sflag:s23], s21  }
0x17: {  	s4 =	ssub.s32 $0x0, s21;
	[sflag:s23] =	ssyncset.done $0x0  }
0x18: {  	[sflag:s23] =	ssyncadd.s32 s4;
	_ =	sdelay $0x1  }
0x19: {  	s24 =	simm.s32 $0x1B8B  }
0x1a: {  	_ =	swait.ge [sflag:s24], $0x1  }
0x1b: {  	[sflag:s24] =	ssyncset.done $0x0  }
0x1c: {  	s26 =	simm.s32 $0x1B8E;
	s25 =	sld [smem:$0x3FFE];
	[sflag:s24] =	ssyncadd.s32 $0xFFFFFFFF  }
0x1d: {  	s27 =	simm.s32 $execute0_lowered;
	[smem:$0x3FD2] =	sst s26  }
0x1e: {  	s5 =	sshll.u32 s27, $0x1;
	_ =	strace $0x80000049;
	[dreg:$0x1] =	wrdreg $0xFFFFFFFF  }
0x1f: {  	s28 =	simm.s32 $_size_execute0_lowered;
	s3 =	sadd.s32 s3, s5;
	[dreg:$0x0] =	wrdreg $0x0  }
0x20: {  	s5 =	sshll.u32 s28, $0x1;
	[dreg:$0x2] =	wrdreg s3  }
0x21: {  	[dreg:$0x3] =	wrdreg s5  }
0x22: {  	[dreg:$0x4] =	wrdreg $0xC0  }
0x23: {  	_ =	task [dreg:s7], $0x5FFFF  }
0x24: {  	[dreg:$0x1] =	wrdreg $0xFFFFFFFF  }
0x25: {  	[dreg:$0x0] =	wrdreg $0x60  }
0x26: {  	[dreg:$0x2] =	wrdreg s25  }
0x27: {  	[dreg:$0x3] =	wrdreg s2  }
0x28: {  	[dreg:$0x4] =	wrdreg $0x9  }
0x29: {  	_ =	task.clear_ibuf [dreg:s7], $0x5FFFF;
	_ =	strace $0x90000049  }
0x2a: {  	s29 =	simm.s32 $0x9;
	_ =	strace $0x8000004B  }
0x2b: {  	_ =	swait.ge [sflag:s29], $0x1  }
0x2c: {  	[sflag:s29] =	ssyncadd.s32 $0xFFFFFFFF  }
0x2d: {  	_ =	strace $0x9000004B  }
0x2e: {  	_ =	sfence  }
0x2f: {  	s30 =	sld [smem:$0x0];
	_ =	sdelay $0x2  }
0x30: {  	s31 =	sshll.u32 s1, $0xD;
	s1 =	sshrl.u32 s1, $0x2  }
0x31: {  	s3 =	sand.u32 $0x4000, s31;
	s1 =	sadd.s32 s1, s30  }
0x32: {  	s0 =	sor.u32 s3, s0;
	s1 =	sshll.u32 s1, $0x11  }
0x33: {  	s0 =	sor.u32 s1, s0  }
0x34: {  	s0 =	sadd.s32 $0x8F2B, s0  }
0x35: {  	[sflag:s0] =	ssyncadd.remote.s32 $0x1  }
0x36: {  	_ =	sfence.sel $0xFFFF  }
0x37: {  	[dreg:$0x0] =	wrdreg $0xFFFFFFFF;
	(pc) =	sbr.abs _section_cstart, $3  }
0x38: {  	[dreg:$0x1] =	wrdreg $0xFFFFFFFF  }
0x39: {  	_ =	task.clear_ibuf [dreg:s7], $0x2FFFF;
	_ =	strace $0x9FFFFFFF  }
0x3a: {  	(tm) =	ssettm $0x7FFFFFFF  }
0x3b: {  	_ =	shalt  }
tec
execute0_lowered:
.L_overlay_start_1:
0x0: {  	(tag) =	ssettag $0x1  }
0x1: {  	s0 =	srdreg.scid  }
0x2: {  	s1 =	sshll.u32 s0, $0x4  }
0x3: {  	s0 =	stileid.u32;
	s1 =	sand.u32 $0x10, s1  }
0x4: {  	s1 =	sor.u32 s0, s1  }
0x5: {  	s6 =	rddreg [dreg:$0x0];
	s4 =	simm.s32 $0x1;
	s2 =	sshll.u32 s1, $0x7  }
0x6: {  	s7 =	simm.s32 $0x2;
	s12 =	simm.s32 $0x0;
	s1 =	ssub.s32 $0x1000, s2  }
0x7: {  	s8 =	simm.s32 $0x8000;
	s13 =	simm.s32 $0x0;
	s3 =	sand.u32 $0xF80, s1  }
0x8: {  	s9 =	simm.s32 $0x0;
	s5 =	sshrl.u32 s1, $0xC;
	p0 =	sne.s32 s3, $0x0  }
.Ltmp0:
0x9: {  	s1 =	rddreg [dreg:$0x2];
	s4 =	simm.s32 @!p0 $0x0;
	(pc) =	sbr.rel .LBB1_1-.Ltmp0, $4  }
0xa: {  	s11 =	simm.s32 $0x0;
	s3 =	rddreg [dreg:$0x1];
	s5 =	sadd.s32 s4, s5  }
0xb: {  	_ =	strace $0x8000004A;
	s4 =	simm.s32 $0x1;
	s5 =	smul.u32 $0xC8, s5  }
0xc: {  	s6 =	sadd.s32 $0xF80800, s6;
	s10 =	smov.u32 s2;
	[sflag:s4] =	ssyncpa.u1 $0x0  }
0xd: {  	p0 =	por $0x0, $0x0;
	[sflag:s7] =	ssyncpa.u1 $0x0;
	s7 =	sor.u32 $0x1, s5  }
.LBB1_4:
0xe: {  	s16 =	sshll.u32 s13, $0x3;
	s17 =	sand.u32 $0x78, s13  }
0xf: {  	s30 =	sand.u32 $0x7E00, s13;
	s12 =	sshll.u32 s12, $0xF;
	s16 =	sand.u32 $0xC00, s16  }
0x10: {  	[tilespmem:s15+$0x810 ss:$0x81] =	vst.msk $0xffff, v2;
	s31 =	sand.u32 $0x7, s13;
	s16 =	sor.u32 s17, s16;
	s17 =	sadd.s32 s3, s30  }
0x11: {  	[tilespmem:s15+$0x1020 ss:$0x81] =	vst.msk $0xffff, v0;
	s13 =	sshll.u32 s31, $0x12;
	s12 =	sadd.s32 s12, s17;
	s16 =	sshrl.u32 s16, $0x3  }
0x12: {  	[tilespmem:s15+$0x0 ss:$0x81] =	vst.msk $0xffff, v1;
	s13 =	sor.u32 $0x400, s13;
	s12 =	sadd.s32 s16, s12  }
0x13: {  	[hbm4b:s12+s13] =	stream.strided.scatter [tilespmem:s14], [sflag:$0x2], $0x2000, s8, s13, $0x20;
	[tilespmem:$0x8080] =	vst v63  }
.LBB1_5:
0x14: {  	s14 =	sadd.s32 $0x1, s9  }
0x15: {  	s12 =	sadd.s32 $0x1000, s10;
	s16 =	smov.u32 s10;
	p2 =	sgt.s32 s14, $0xC7  }
0x16: {  	s16 =	smov.u32 @p2 s12  }
0x17: {  	s14 =	simm.s32 @p2 $0x0;
	p2 =	sgt.s32 s16, $0xFFF  }
0x18: {  	s16 =	smov.u32 @p2 s2;
	p2 =	sne.s32 s11, s7  }
.Ltmp1:
0x19: {  	p1 =	slt.u32 s11, $0x2;
	(pc) =	sbr.rel @!p2 .LBB1_6-.Ltmp1, $4  }
0x1a: {  	s15 =	simm.s32 @!p1 $0x2  }
0x1b: {  	s13 =	smov.u32 s10;
	p0 =	por !p0, !p0;
	_ =	swait.ge @!p1 [sflag:s15], $0x2000  }
0x1c: {  	s12 =	smov.u32 s9;
	[sflag:s15] =	ssyncset.done @!p1 $0x0;
	s9 =	smov.u32 s14  }
0x1d: {  	s11 =	sadd.s32 $0x1, s11;
	[sflag:s15] =	ssyncadd.s32 @!p1 $0xFFFFE000;
	s10 =	smov.u32 s16  }
.LBB1_1:
0x1e: {  	p1 =	sge.u32 s11, s5  }
0x1f: {  	s14 =	sand.u32 @!p1 $0x1FFFFFF, s9  }
0x20: {  	s15 =	smulhi.u32 @!p1 $0x147AE15, s14;
	_ =	sdelay $0x1  }
0x21: {  	s15 =	smul.u32 @!p1 $0xC8, s15  }
0x22: {  	s16 =	sxor.u32 @!p1 $0xFFFFFFFF, s11;
	s17 =	smul.u32 @!p1 $0xC80, s10  }
0x23: {  	s31 =	sadd.s32 $0xFFFFFFFF, s11;
	s16 =	sshll.u32 @!p1 s16, $0xD;
	s14 =	ssub.s32 @!p1 s14, s15  }
0x24: {  	s15 =	sand.u32 @!p1 $0x2000, s16;
	s16 =	sadd.s32 @!p1 s6, s17;
	s14 =	sshll.u32 @!p1 s14, $0x4  }
0x25: {  	s17 =	simm.s32 @!p1 $0x6400;
	s14 =	sadd.s32 @!p1 s14, s16;
	s16 =	simm.s32 @!p1 $0x40  }
0x26: {  	[tilespmem:s15], [sflag:$0x1] =	stream.strided.gather @!p1 [hbm4b:s14+s16], $0x2000, s17, s16, $0x38;
	[tilespmem:$0x8080] =	vst v63  }
0x27: {  	p1 =	sge.u32 s31, s5  }
.Ltmp2:
0x28: {  	_ = 	snop;
	(pc) =	sbr.rel @p1 .LBB1_5-.Ltmp2, $1  }
0x29: {  	_ =	sdelay $0x3  }
0x2a: {  	s14 =	simm.s32 $0x1  }
0x2b: {  	_ =	swait.ge [sflag:s4], $0x2000;
	s14 =	simm.s32 @!p0 $0x0  }
0x2c: {  	[sflag:s4] =	ssyncset.done $0x0;
	s15 =	sshll.u32 s14, $0xD  }
0x2d: {  	[sflag:s4] =	ssyncadd.s32 $0xFFFFE000;
	s18 =	sor.u32 $0x20, s15  }
0x2e: {  	s14 =	smul.u32 $0x8100, s14;
	v3 =	vld [tilespmem:s18+$0x10]  }
0x2f: {  	s30 =	sand.u32 $0x1, s11;
	v2 =	vld [tilespmem:s18+$0xFFFFFFF0]  }
0x30: {  	s15 =	smul.u32 $0x8100, s30;
	s14 =	sshrl.u32 s14, $0x2;
	v0 =	vld [tilespmem:s18+$0x0]  }
0x31: {  	v1 =	vld [tilespmem:s18+$0xFFFFFFE0];
	s16 =	sor.u32 $0x4000, s14  }
0x32: {  	s31 =	sshrl.u32 s15, $0x2;
	s15 =	sadd.s32 $0x0, s16  }
0x33: {  	s17 =	simm.s32 $0x4;
	s18 =	sadd.s32 $0x40, s18;
	s14 =	sor.u32 $0x4000, s31;
	[tilespmem:s15+$0x1830 ss:$0x81] =	vst.msk $0xffff, v3  }
.LBB1_3:
0x34: {  	v3 =	vld [tilespmem:s18+$0x10];
	p1 =	sne.s32 s17, $0x1FC;
	[tilespmem:s15+$0x810 ss:$0x81] =	vst.msk $0xffff, v2;
	s19 =	smov.u32 s17;
	s17 =	sadd.s32 $0x4, s17  }
.Ltmp3:
0x35: {  	v2 =	vld [tilespmem:s18+$0xFFFFFFF0];
	[tilespmem:s15+$0x1020 ss:$0x81] =	vst.msk $0xffff, v0;
	(pc) =	sbr.rel @p1 .LBB1_3-.Ltmp3, $4  }
0x36: {  	v0 =	vld [tilespmem:s18+$0x0];
	[tilespmem:s15+$0x0 ss:$0x81] =	vst.msk $0xffff, v1  }
0x37: {  	s15 =	sshra.s32 s19, $0x2;
	v1 =	vld [tilespmem:s18+$0xFFFFFFE0]  }
0x38: {  	s15 =	sadd.s32 s15, s16  }
0x39: {  	s18 =	sadd.s32 $0x40, s18;
	[tilespmem:s15+$0x1830 ss:$0x81] =	vst.msk $0xffff, v3  }
.Ltmp4:
0x3a: {  	_ = 	snop;
	(pc) =	sbr.rel .LBB1_4-.Ltmp4, $1  }
0x3b: {  	_ =	sdelay $0x3  }
.LBB1_6:
0x3c: {  	_ =	sfence.sel $0x180000  }
0x3d: {  	s2 =	simm.s32 $0x1;
	[bflag:$0x0] =	sbarrier.arrive $0xFFFF  }
0x3e: {  	s31 =	simm.s32 $0x2;
	[sflag:s2] =	ssyncpa.u1 $0x1  }
0x3f: {  	[sflag:s31] =	ssyncpa.u1 $0x1  }
0x40: {  	p0 =	sne.s32 s0, $0x0;
	_ =	strace $0x9000004A  }
0x41: {  	s0 =	sadd.s32 @!p0 $0x100000, s1;
	[bflag:$0x2] =	sbarrier.arrive $0xFFFF  }
0x42: {  	[sflag:s0] =	ssyncadd.tile.s32 @!p0 $0x1;
	_ =	shalt  }
.Lfunc_end1:
_tile_overlayer_lowered:
.L_overlay_start_2:
0x43: {  	(tag) =	ssettag $0x2  }
0x44: {  	s0 =	rddreg [dreg:$0x0];
	s2 =	stileid.u32  }
0x45: {  	s1 =	rddreg [dreg:$0x1];
	p0 =	sne.s32 s2, $0x0  }
0x46: {  	s3 =	rddreg [dreg:$0x2];
	[bflag:$0x3] =	sbarrier.arrive $0xFFFF;
	s2 =	simm.s32 @!p0 $0x1C01  }
0x47: {  	[timem:s3], [sflag:s2] =	dma.local @!p0 [hbm:s0], s1  }
0x48: {  	s0 =	simm.s32 @!p0 $0x1  }
0x49: {  	_ =	swait.ge @!p0 [sflag:s0], s1  }
0x4a: {  	s1 =	ssub.s32 @!p0 $0x0, s1;
	[sflag:s0] =	ssyncset.done @!p0 $0x0  }
0x4b: {  	[sflag:s0] =	ssyncadd.s32 @!p0 s1  }
0x4c: {  	[bflag:$0x3] =	sbarrier.arrive $0xFFFF  }
0x4d: {  	_ =	shalt  }

</sc_bundles>
